<compile_context>
chip_gen: v7x
topology: tpu7x:2x2x1
jax: 0.10.2.dev20260603
libtpu: 0.0.44.dev20260713+nightly
codegen_flags: <defaults>
</compile_context>

<pallas_src>
import functools

import jax
import jax.numpy as jnp
from jax import lax
from jax.experimental import pallas as pl
from jax.experimental.pallas import tpu as pltpu
from jax.experimental.pallas import tpu_sc as plsc

N_NODES = 10000
N_EDGES = 320000
D_EDGE = 16
HIDDEN = 10
MSG = 20
HPAD = 16

L = 16
NC = 2
NS = 16
NW = NC * NS
CH = 128
NCH = 79
PT = CH * NCH
EP = NW * PT
ACC_ROWS = 10112
BLK = 4096

def _mesh():
    return plsc.VectorSubcoreMesh(
        core_axis_name="c", subcore_axis_name="s", num_cores=NC, num_subcores=NS)


TBL = 100096


_GATHER_SPEC = dict(
    out_type=jax.ShapeDtypeStruct((EP, HPAD), jnp.float32),
    compiler_params=pltpu.CompilerParams(needs_layout_passes=False),
    scratch_types=[
        pltpu.VMEM((TBL,), jnp.float32),
        pltpu.VMEM((CH,), jnp.int32),
        pltpu.VMEM((CH,), jnp.int32),
        pltpu.VMEM((CH, HPAD), jnp.float32),
        pltpu.SemaphoreType.DMA,
        pltpu.SemaphoreType.DMA,
        pltpu.SemaphoreType.DMA,
    ],
)


def _gather_body(hid_hbm, src_hbm, out_hbm, tbl_v, idx0, idx1, buf0,
                 isem0, isem1, osem0):
    idx = (idx0, idx1)
    buf = (buf0, buf0)
    isem = (isem0, isem1)
    osem = (osem0, osem0)
    wid = lax.axis_index("s") * NC + lax.axis_index("c")
    base = wid * PT
    pltpu.sync_copy(hid_hbm, tbl_v)
    lanes = lax.iota(jnp.int32, L)
    zrow = jnp.zeros((L,), jnp.float32)

    def zinit(r, carry):
        buf0[r] = zrow
        return carry

    lax.fori_loop(0, CH, zinit, 0)

    def start_idx(j, p):
        pltpu.make_async_copy(src_hbm.at[wid, j], idx[p], isem[p]).start()

    def phase_block(j, p):
        pltpu.make_async_copy(src_hbm.at[wid, j], idx[p], isem[p]).wait()

        @pl.when(j >= 1)
        def _():
            pltpu.make_async_copy(
                buf[p], out_hbm.at[pl.ds(base + (j - 1) * CH, CH)],
                osem[p]).wait()

        def group(g, carry2):
            src10 = idx[p][pl.ds(g * L, L)] * HIDDEN
            rows = g * L + lanes
            for h in range(HIDDEN):
                vals = plsc.load_gather(tbl_v, [src10 + h])
                plsc.store_scatter(
                    buf[p], [rows, jnp.full((L,), h, jnp.int32)], vals)
            return carry2

        lax.fori_loop(0, CH // L, group, 0)

        @pl.when(j + 2 < NCH)
        def _():
            start_idx(j + 2, p)

        pltpu.make_async_copy(
            buf[p], out_hbm.at[pl.ds(base + j * CH, CH)], osem[p]).start()

    def body(j, carry):
        @pl.when(j % 2 == 0)
        def _():
            phase_block(j, 0)

        @pl.when(j % 2 == 1)
        def _():
            phase_block(j, 1)

        return carry

    start_idx(0, 0)
    start_idx(1, 1)
    lax.fori_loop(0, NCH, body, 0)
    pltpu.make_async_copy(
        buf[0], out_hbm.at[pl.ds(base + (NCH - 1) * CH, CH)], osem[0]).wait()


@functools.cache
def _gather_sc():
    return pl.kernel(_gather_body, mesh=_mesh(), **_GATHER_SPEC)


def _dense_body(ef_ref, nb_ref, wp_ref, bp_ref, rm_ref, s2_ref, out_ref):
    bf = jnp.bfloat16
    t2 = jnp.dot(ef_ref[...].astype(bf), wp_ref[...].astype(bf),
                 preferred_element_type=jnp.float32) + bp_ref[...]
    rep = jnp.dot(nb_ref[...].astype(bf), rm_ref[...].astype(bf),
                  preferred_element_type=jnp.float32)
    out_ref[...] = jnp.dot((t2 * rep).astype(bf), s2_ref[...].astype(bf),
                           preferred_element_type=jnp.float32)


def _dense_tc(ef, neigh, wperm, bperm, rmat, s2):
    nmh = MSG * HIDDEN
    return pl.pallas_call(
        _dense_body,
        grid=(EP // BLK,),
        in_specs=[
            pl.BlockSpec((BLK, D_EDGE), lambda i: (i, 0)),
            pl.BlockSpec((BLK, HPAD), lambda i: (i, 0)),
            pl.BlockSpec((D_EDGE, nmh), lambda i: (0, 0)),
            pl.BlockSpec((1, nmh), lambda i: (0, 0)),
            pl.BlockSpec((HPAD, nmh), lambda i: (0, 0)),
            pl.BlockSpec((nmh, MSG), lambda i: (0, 0)),
        ],
        out_specs=pl.BlockSpec((BLK, MSG), lambda i: (i, 0)),
        out_shape=jax.ShapeDtypeStruct((EP, MSG), jnp.float32),
    )(ef, neigh, wperm, bperm, rmat, s2)


_SCATTER_SPEC = dict(
    out_type=jax.ShapeDtypeStruct((NC, ACC_ROWS, MSG), jnp.float32),
    compiler_params=pltpu.CompilerParams(needs_layout_passes=False),
    scratch_types=[
        pltpu.VMEM((CH,), jnp.int32),
        pltpu.VMEM((CH,), jnp.int32),
        pltpu.VMEM((CH, MSG), jnp.float32),
        pltpu.VMEM((CH, MSG), jnp.float32),
        pltpu.VMEM((CH, 128), jnp.float32),
        pltpu.VMEM_SHARED((ACC_ROWS, 128), jnp.float32),
        pltpu.SemaphoreType.DMA,
        pltpu.SemaphoreType.DMA,
    ],
)


def _scatter_body(msgs_hbm, dst_hbm, out_hbm, idx_in0, idx_in1,
                  buf20a, buf20b, b128, acc, insem0, insem1):
    idx_in = (idx_in0, idx_in1)
    buf20 = (buf20a, buf20b)
    insem = (insem0, insem1)
    c = lax.axis_index("c")
    s = lax.axis_index("s")
    wid = s * NC + c
    zrows = ACC_ROWS // NS
    nz = zrows // CH
    ztail = zrows - nz * CH
    lanes = lax.iota(jnp.int32, L)
    z16 = jnp.zeros((L,), jnp.float32)
    trows = lanes // 4
    tcols = 16 + (lanes % 4)

    def zrow(r, carry):
        for q in range(8):
            b128[r, pl.ds(q * L, L)] = z16
        return carry

    lax.fori_loop(0, CH, zrow, 0)

    def zacc(k, carry):
        pltpu.sync_copy(b128, acc.at[pl.ds(s * zrows + k * CH, CH)])
        return carry

    lax.fori_loop(0, nz, zacc, 0)
    pltpu.sync_copy(b128.at[pl.ds(0, ztail)],
                    acc.at[pl.ds(s * zrows + nz * CH, ztail)])
    plsc.subcore_barrier()

    def start_in(j, p):
        pltpu.make_async_copy(dst_hbm.at[wid, j], idx_in[p], insem[p]).start()
        pltpu.make_async_copy(
            msgs_hbm.at[pl.ds(wid * PT + j * CH, CH)], buf20[p],
            insem[p]).start()

    def wait_in(j, p):
        pltpu.make_async_copy(dst_hbm.at[wid, j], idx_in[p], insem[p]).wait()
        pltpu.make_async_copy(
            msgs_hbm.at[pl.ds(wid * PT + j * CH, CH)], buf20[p],
            insem[p]).wait()

    def phase_block(j, p):
        wait_in(j, p)

        def expand_group(g, carry):
            for rr in range(4):
                r = g * 4 + rr
                rfull = jnp.full((L,), r, jnp.int32)
                v = plsc.load_gather(buf20[p], [rfull, lanes])
                plsc.store_scatter(b128, [rfull, lanes], v)
            vt = plsc.load_gather(buf20[p], [g * 4 + trows, tcols])
            plsc.store_scatter(b128, [g * 4 + trows, tcols], vt)
            return carry

        lax.fori_loop(0, CH // 4, expand_group, 0)
        pltpu.sync_copy(b128, acc.at[idx_in[p]], add=True)

        @pl.when(j + 2 < NCH)
        def _():
            start_in(j + 2, p)

    start_in(0, 0)
    start_in(1, 1)

    def body(j, carry):
        @pl.when(j % 2 == 0)
        def _():
            phase_block(j, 0)

        @pl.when(j % 2 == 1)
        def _():
            phase_block(j, 1)

        return carry

    lax.fori_loop(0, NCH, body, 0)
    plsc.subcore_barrier()

    def extract_group(g, carry):
        for rr in range(4):
            r = g * 4 + rr
            rfull = jnp.full((L,), r, jnp.int32)
            v = plsc.load_gather(b128, [rfull, lanes])
            plsc.store_scatter(buf20[0], [rfull, lanes], v)
        vt = plsc.load_gather(b128, [g * 4 + trows, tcols])
        plsc.store_scatter(buf20[0], [g * 4 + trows, tcols], vt)
        return carry

    def obody(k, carry):
        pltpu.sync_copy(acc.at[pl.ds(s * zrows + k * CH, CH)], b128)
        lax.fori_loop(0, CH // 4, extract_group, 0)
        pltpu.sync_copy(buf20[0], out_hbm.at[c, pl.ds(s * zrows + k * CH, CH)])
        return carry

    lax.fori_loop(0, nz, obody, 0)
    pltpu.sync_copy(acc.at[pl.ds(s * zrows + nz * CH, ztail)],
                    b128.at[pl.ds(0, ztail)])
    lax.fori_loop(0, ztail // 4, extract_group, 0)
    pltpu.sync_copy(buf20[0].at[pl.ds(0, ztail)],
                    out_hbm.at[c, pl.ds(s * zrows + nz * CH, ztail)])


@functools.cache
def _scatter_sc():
    return pl.kernel(_scatter_body, mesh=_mesh(), **_SCATTER_SPEC)


def _combine_body(p_ref, o_ref):
    o_ref[...] = p_ref[0] + p_ref[1]


def _combine_tc(partials):
    rb = N_NODES // 5
    return pl.pallas_call(
        _combine_body,
        grid=(5,),
        in_specs=[pl.BlockSpec((NC, rb, MSG), lambda i: (0, i, 0))],
        out_specs=pl.BlockSpec((rb, MSG), lambda i: (i, 0)),
        out_shape=jax.ShapeDtypeStruct((N_NODES, MSG), jnp.float32),
    )(partials)


def kernel(node_features, edge_features, edge_index, hidden, initial, W, b):
    nmh = MSG * HIDDEN
    src = edge_index[0].astype(jnp.int32)
    dst = edge_index[1].astype(jnp.int32)
    npad = EP - N_EDGES

    hid_flat = jnp.pad(hidden.reshape(-1), (0, TBL - N_NODES * HIDDEN))
    pad_src = (jnp.arange(npad, dtype=jnp.int32) * 61) % N_NODES
    src3d = jnp.concatenate([src, pad_src]).reshape(NW, NCH, CH)
    pad_dst = N_NODES + (jnp.arange(npad, dtype=jnp.int32) % (ACC_ROWS - N_NODES))
    dst3d = jnp.concatenate([dst, pad_dst]).reshape(NW, NCH, CH)

    cols = jnp.arange(nmh, dtype=jnp.int32)
    perm = (cols % MSG) * HIDDEN + cols // MSG
    wperm = W[:, perm]
    bperm = b[perm][None, :]
    rmat = jnp.zeros((HPAD, nmh), jnp.float32).at[cols // MSG, cols].set(1.0)
    s2 = jnp.zeros((nmh, MSG), jnp.float32).at[cols, cols % MSG].set(1.0)

    neigh = _gather_sc()(hid_flat, src3d)
    msgs = _dense_tc(edge_features, neigh, wperm, bperm, rmat, s2)
    partials = _scatter_sc()(msgs, dst3d)
    return _combine_tc(partials)

# --- scband reference (transcript-rebuilt; emitter-appended) ---
"""Pipeline reference for scband-message-layer-58308476010696 (READ-ONLY COPY).

The authoritative reference and input builder live on the scoring server;
editing this copy changes nothing except your own understanding.
"""

import jax, jax.numpy as jnp
import numpy as np

N_NODES = 10000
N_EDGES = 320000
D_EDGE = 16
HIDDEN = 10
MSG = 20


def setup_inputs(seed: int = 0) -> dict:
    key = jax.random.key(seed)
    k1, k2, k3, k4, k5, k6, k7 = jax.random.split(key, 7)
    node_features = jax.random.normal(k1, (N_NODES, 128), dtype=jnp.float32)
    edge_features = jax.random.normal(k2, (N_EDGES, D_EDGE), dtype=jnp.float32)
    edge_index = jax.random.randint(k3, (2, N_EDGES), 0, N_NODES)
    hidden = jax.random.normal(k4, (N_NODES, HIDDEN), dtype=jnp.float32)
    initial = jax.random.normal(k5, (N_NODES, HIDDEN), dtype=jnp.float32)
    # edge_net Dense params: d_edge -> message_size * hidden_state_size
    W = jax.random.normal(k6, (D_EDGE, MSG * HIDDEN), dtype=jnp.float32) * 0.05
    b = jnp.zeros((MSG * HIDDEN,), dtype=jnp.float32)
    return {
        "node_features": node_features,
        "edge_features": edge_features,
        "edge_index": edge_index,
        "hidden": hidden,
        "initial": initial,
        "W": W,
        "b": b,
    }


def reference(node_features, edge_features, edge_index, hidden, initial, W, b):
    # Vectorized, flat edge-list translation of MessageLayer.call:
    # for each edge (src -> dst): build edge matrix M_e = reshape(edge_net(e_feat), [MSG, HIDDEN]),
    # message_e = M_e @ hidden[src]; node output = sum of messages over incoming edges.
    src = edge_index[0]
    dst = edge_index[1]
    num_nodes = node_features.shape[0]
    # edge_net: Dense(units=MSG*HIDDEN)
    edge_mats = (edge_features @ W + b).reshape(-1, MSG, HIDDEN)
    # gather neighbour hidden states (memory-bound gather)
    neigh = jnp.take(hidden, src, axis=0)  # [E, HIDDEN]
    # per-edge matvec: tf.linalg.matvec(edge_mat, neighbour)
    msgs = jnp.einsum("emh,eh->em", edge_mats, neigh)  # [E, MSG]
    # aggregation = reduce_sum over each node's incoming edges (scatter-add)
    out = jax.ops.segment_sum(msgs, dst, num_segments=num_nodes)  # [N, MSG]
    return out

if __name__ == "__main__":
    import jax
    _d = setup_inputs()
    print(jax.jit(kernel)(*tuple(_d.values())))

</pallas_src>

<mosaic_0001>
#map = affine_map<(d0, d1) -> (0)>
#map1 = affine_map<(d0, d1) -> (0, 0, 0)>
#map2 = affine_map<(d0, d1) -> (0, 0)>
module attributes {stable_mosaic.version = 14 : i64} {
  func.func @_gather_body(%arg0: i32, %arg1: i32, %arg2: memref<100096xf32, #tpu.memory_space<hbm>>, %arg3: memref<32x79x128xi32, #tpu.memory_space<hbm>>, %arg4: memref<323584x16xf32, #tpu.memory_space<hbm>>, %arg5: memref<100096xf32, #tpu.memory_space<vmem>>, %arg6: memref<128xi32, #tpu.memory_space<vmem>>, %arg7: memref<128xi32, #tpu.memory_space<vmem>>, %arg8: memref<128x16xf32, #tpu.memory_space<vmem>>, %arg9: memref<!tpu.dma_semaphore, #tpu.memory_space<semaphore_mem>>, %arg10: memref<!tpu.dma_semaphore, #tpu.memory_space<semaphore_mem>>, %arg11: memref<!tpu.dma_semaphore, #tpu.memory_space<semaphore_mem>>) attributes {dimension_semantics = [#tpu.dimension_semantics<core_parallel>, #tpu.dimension_semantics<subcore_parallel>], iteration_bounds = array<i64: 2, 16>, scalar_prefetch = 0 : i64, scratch_operands = 7 : i64, tpu.core_type = #tpu.core_type<sc_vector_subcore>, window_params = [{transform_indices = #map}, {transform_indices = #map1}, {transform_indices = #map2}]} {
    %mul3A = arith.constant 2 : i32
    %mul3A_0 = arith.muli %arg1, %mul3A : i32
    %add3A = arith.addi %mul3A_0, %arg0 : i32
    %mul3A_1 = arith.constant 10112 : i32
    %mul3A_2 = arith.muli %add3A, %mul3A_1 : i32
    "tpu.region"() ({
      %run_scoped3A = tpu.sem_alloc : memref<!tpu.dma_semaphore, #tpu.memory_space<semaphore_mem>>
      tpu.enqueue_dma source(%arg2 : memref<100096xf32, #tpu.memory_space<hbm>>) target(%arg5 : memref<100096xf32, #tpu.memory_space<vmem>>) target_semaphore(%run_scoped3A : memref<!tpu.dma_semaphore, #tpu.memory_space<semaphore_mem>>)
      tpu.wait_dma2 semaphore(%run_scoped3A : memref<!tpu.dma_semaphore, #tpu.memory_space<semaphore_mem>>) src(%arg2 : memref<100096xf32, #tpu.memory_space<hbm>>) dst(%arg5 : memref<100096xf32, #tpu.memory_space<vmem>>)
      tpu.yield
    }) : () -> ()
    %iota3A = tpu.iota {dimensions = array<i32: 0>} : vector<16xi32>
    %broadcast_in_dim3A = arith.constant 0.000000e+00 : f32
    %broadcast_in_dim3A_3 = vector.broadcast %broadcast_in_dim3A : f32 to vector<16xf32>
    %scan3A = arith.constant 0 : i32
    %scan3A_4 = arith.constant 0 : i32
    %scan3A_5 = arith.constant 128 : i32
    %scan3A_6 = arith.addi %scan3A_4, %scan3A_5 : i32
    %scan3A_7 = arith.constant 1 : i32
    scf.for %scan3A_33 = %scan3A_4 to %scan3A_6 step %scan3A_7  : i32 {
      %swap3A = arith.index_cast %scan3A_33 : i32 to index
      %swap3A_34 = arith.constant 0 : index
      %swap3A_35 = tpu.vector_load %arg8[%swap3A, %swap3A_34] {strides = array<i32>} : memref<128x16xf32, #tpu.memory_space<vmem>>, vector<16xf32>,
      tpu.vector_store %arg8[%swap3A, %swap3A_34], %broadcast_in_dim3A_3 {strides = array<i32>} : memref<128x16xf32, #tpu.memory_space<vmem>>, vector<16xf32>,
    }
    %scan3A_8 = arith.constant 128 : i32
    %dma_start3A = arith.constant 0 : i32
    %dma_start3A_9 = arith.constant 0 : i32
    %dma_start3A_10 = tpu.memref_slice %arg3[%add3A, %dma_start3A, %dma_start3A_9] : memref<32x79x128xi32, #tpu.memory_space<hbm>> -> memref<1x1x128xi32, #tpu.memory_space<hbm>>
    %dma_start3A_11 = tpu.memref_squeeze %dma_start3A_10 : memref<1x1x128xi32, #tpu.memory_space<hbm>> -> memref<128xi32, #tpu.memory_space<hbm>>
    %dma_start3A_12 = arith.constant 0 : i32
    %dma_start3A_13 = tpu.memref_slice %arg3[%add3A, %dma_start3A, %dma_start3A_12] : memref<32x79x128xi32, #tpu.memory_space<hbm>> -> memref<1x1x128xi32, #tpu.memory_space<hbm>>
    %dma_start3A_14 = tpu.memref_squeeze %dma_start3A_13 : memref<1x1x128xi32, #tpu.memory_space<hbm>> -> memref<128xi32, #tpu.memory_space<hbm>>
    tpu.enqueue_dma source(%dma_start3A_14 : memref<128xi32, #tpu.memory_space<hbm>>) target(%arg6 : memref<128xi32, #tpu.memory_space<vmem>>) target_semaphore(%arg9 : memref<!tpu.dma_semaphore, #tpu.memory_space<semaphore_mem>>)
    %dma_start3A_15 = arith.constant 1 : i32
    %dma_start3A_16 = arith.constant 0 : i32
    %dma_start3A_17 = tpu.memref_slice %arg3[%add3A, %dma_start3A_15, %dma_start3A_16] : memref<32x79x128xi32, #tpu.memory_space<hbm>> -> memref<1x1x128xi32, #tpu.memory_space<hbm>>
    %dma_start3A_18 = tpu.memref_squeeze %dma_start3A_17 : memref<1x1x128xi32, #tpu.memory_space<hbm>> -> memref<128xi32, #tpu.memory_space<hbm>>
    %dma_start3A_19 = arith.constant 0 : i32
    %dma_start3A_20 = tpu.memref_slice %arg3[%add3A, %dma_start3A_15, %dma_start3A_19] : memref<32x79x128xi32, #tpu.memory_space<hbm>> -> memref<1x1x128xi32, #tpu.memory_space<hbm>>
    %dma_start3A_21 = tpu.memref_squeeze %dma_start3A_20 : memref<1x1x128xi32, #tpu.memory_space<hbm>> -> memref<128xi32, #tpu.memory_space<hbm>>
    tpu.enqueue_dma source(%dma_start3A_21 : memref<128xi32, #tpu.memory_space<hbm>>) target(%arg7 : memref<128xi32, #tpu.memory_space<vmem>>) target_semaphore(%arg10 : memref<!tpu.dma_semaphore, #tpu.memory_space<semaphore_mem>>)
    %scan3A_22 = arith.constant 0 : i32
    %scan3A_23 = arith.constant 0 : i32
    %scan3A_24 = arith.constant 79 : i32
    %scan3A_25 = arith.addi %scan3A_23, %scan3A_24 : i32
    %scan3A_26 = arith.constant 1 : i32
    scf.for %scan3A_33 = %scan3A_23 to %scan3A_25 step %scan3A_26  : i32 {
      %jit3A = arith.constant 2 : i32
      %eq3A = arith.constant 0 : i32
      %eq3A_34 = arith.cmpi eq, %jit3A, %eq3A : i32
      %jit3A_35 = arith.constant 1 : i32
      %select_n3A = arith.select %eq3A_34, %jit3A_35, %jit3A : i32
      %rem3A = arith.remsi %scan3A_33, %select_n3A : i32
      %ne3A = arith.constant 0 : i32
      %ne3A_36 = arith.cmpi ne, %rem3A, %ne3A : i32
      %lt3A = arith.constant 0 : i32
      %lt3A_37 = arith.cmpi slt, %rem3A, %lt3A : i32
      %lt3A_38 = arith.constant 0 : i32
      %lt3A_39 = arith.cmpi slt, %select_n3A, %lt3A_38 : i32
      %ne3A_40 = arith.xori %lt3A_37, %lt3A_39 : i1
      %and3A = arith.andi %ne3A_40, %ne3A_36 : i1
      %add3A_41 = arith.addi %rem3A, %select_n3A : i32
      %select_n3A_42 = arith.select %and3A, %add3A_41, %rem3A : i32
      %eq3A_43 = arith.constant 0 : i32
      %eq3A_44 = arith.cmpi eq, %select_n3A_42, %eq3A_43 : i32
      %convert_element_type3A = arith.extui %eq3A_44 : i1 to i32
      %cond3A = arith.constant 0 : i32
      %cond3A_45 = arith.cmpi ne, %convert_element_type3A, %cond3A : i32
      scf.if %cond3A_45 {
        %dma_wait3A_67 = arith.constant 0 : i32
        %dma_wait3A_68 = tpu.memref_slice %arg3[%add3A, %scan3A_33, %dma_wait3A_67] : memref<32x79x128xi32, #tpu.memory_space<hbm>> -> memref<1x1x128xi32, #tpu.memory_space<hbm>>
        %dma_wait3A_69 = tpu.memref_squeeze %dma_wait3A_68 : memref<1x1x128xi32, #tpu.memory_space<hbm>> -> memref<128xi32, #tpu.memory_space<hbm>>
        %dma_wait3A_70 = arith.constant 0 : i32
        %dma_wait3A_71 = tpu.memref_slice %arg3[%add3A, %scan3A_33, %dma_wait3A_70] : memref<32x79x128xi32, #tpu.memory_space<hbm>> -> memref<1x1x128xi32, #tpu.memory_space<hbm>>
        %dma_wait3A_72 = tpu.memref_squeeze %dma_wait3A_71 : memref<1x1x128xi32, #tpu.memory_space<hbm>> -> memref<128xi32, #tpu.memory_space<hbm>>
        tpu.wait_dma2 semaphore(%arg9 : memref<!tpu.dma_semaphore, #tpu.memory_space<semaphore_mem>>) src(%dma_wait3A_72 : memref<128xi32, #tpu.memory_space<hbm>>) dst(%arg6 : memref<128xi32, #tpu.memory_space<vmem>>)
        %ge3A = arith.constant 1 : i32
        %ge3A_73 = arith.cmpi sge, %scan3A_33, %ge3A : i32
        %convert_element_type3A_74 = arith.extui %ge3A_73 : i1 to i32
        %cond3A_75 = arith.constant 0 : i32
        %cond3A_76 = arith.cmpi ne, %convert_element_type3A_74, %cond3A_75 : i32
        scf.if %cond3A_76 {
          %sub3A = arith.constant 1 : i32
          %sub3A_97 = arith.subi %scan3A_33, %sub3A : i32
          %mul3A_98 = arith.constant 128 : i32
          %mul3A_99 = arith.muli %sub3A_97, %mul3A_98 : i32
          %add3A_100 = arith.addi %mul3A_2, %mul3A_99 : i32
          %dma_wait3A_101 = arith.constant 0 : i32
          %dma_wait3A_102 = tpu.memref_slice %arg4[%add3A_100, %dma_wait3A_101] : memref<323584x16xf32, #tpu.memory_space<hbm>> -> memref<128x16xf32, #tpu.memory_space<hbm>>
          %dma_wait3A_103 = arith.constant 0 : i32
          %dma_wait3A_104 = tpu.memref_slice %arg4[%add3A_100, %dma_wait3A_103] : memref<323584x16xf32, #tpu.memory_space<hbm>> -> memref<128x16xf32, #tpu.memory_space<hbm>>
          tpu.wait_dma2 semaphore(%arg11 : memref<!tpu.dma_semaphore, #tpu.memory_space<semaphore_mem>>) src(%arg8 : memref<128x16xf32, #tpu.memory_space<vmem>>) dst(%dma_wait3A_104 : memref<128x16xf32, #tpu.memory_space<hbm>>)
        } else {
        }
        %scan3A_77 = arith.constant 0 : i32
        %scan3A_78 = arith.constant 0 : i32
        %scan3A_79 = arith.constant 8 : i32
        %scan3A_80 = arith.addi %scan3A_78, %scan3A_79 : i32
        %scan3A_81 = arith.constant 1 : i32
        scf.for %scan3A_97 = %scan3A_78 to %scan3A_80 step %scan3A_81  : i32 {
          %mul3A_98 = arith.constant 16 : i32
          %mul3A_99 = arith.muli %scan3A_97, %mul3A_98 : i32
          %get3A = arith.index_cast %mul3A_99 : i32 to index
          %get3A_100 = tpu.vector_load %arg6[%get3A] {strides = array<i32>} : memref<128xi32, #tpu.memory_space<vmem>>, vector<16xi32>,
          %mul3A_101 = arith.constant 10 : i32
          %mul3A_102 = vector.broadcast %mul3A_101 : i32 to vector<16xi32>
          %mul3A_103 = arith.muli %get3A_100, %mul3A_102 : vector<16xi32>
          %mul3A_104 = arith.constant 16 : i32
          %mul3A_105 = arith.muli %scan3A_97, %mul3A_104 : i32
          %add3A_106 = vector.broadcast %mul3A_105 : i32 to vector<16xi32>
          %add3A_107 = arith.addi %add3A_106, %iota3A : vector<16xi32>
          %add3A_108 = arith.constant 0 : i32
          %add3A_109 = vector.broadcast %add3A_108 : i32 to vector<16xi32>
          %add3A_110 = arith.addi %mul3A_103, %add3A_109 : vector<16xi32>
          %gather3A = tpu.vector_load_idx %arg5[%add3A_110] : memref<100096xf32, #tpu.memory_space<vmem>>[vector<16xi32>], vector<16xf32>,
          %broadcast_in_dim3A_111 = arith.constant 0 : i32
          %broadcast_in_dim3A_112 = vector.broadcast %broadcast_in_dim3A_111 : i32 to vector<16xi32>
          tpu.vector_store_idx %arg8[%add3A_107, %broadcast_in_dim3A_112], %gather3A : memref<128x16xf32, #tpu.memory_space<vmem>>[vector<16xi32>, vector<16xi32>], vector<16xf32>,
          %add3A_113 = arith.constant 1 : i32
          %add3A_114 = vector.broadcast %add3A_113 : i32 to vector<16xi32>
          %add3A_115 = arith.addi %mul3A_103, %add3A_114 : vector<16xi32>
          %gather3A_116 = tpu.vector_load_idx %arg5[%add3A_115] : memref<100096xf32, #tpu.memory_space<vmem>>[vector<16xi32>], vector<16xf32>,
          %broadcast_in_dim3A_117 = arith.constant 1 : i32
          %broadcast_in_dim3A_118 = vector.broadcast %broadcast_in_dim3A_117 : i32 to vector<16xi32>
          tpu.vector_store_idx %arg8[%add3A_107, %broadcast_in_dim3A_118], %gather3A_116 : memref<128x16xf32, #tpu.memory_space<vmem>>[vector<16xi32>, vector<16xi32>], vector<16xf32>,
          %add3A_119 = arith.constant 2 : i32
          %add3A_120 = vector.broadcast %add3A_119 : i32 to vector<16xi32>
          %add3A_121 = arith.addi %mul3A_103, %add3A_120 : vector<16xi32>
          %gather3A_122 = tpu.vector_load_idx %arg5[%add3A_121] : memref<100096xf32, #tpu.memory_space<vmem>>[vector<16xi32>], vector<16xf32>,
          %broadcast_in_dim3A_123 = arith.constant 2 : i32
          %broadcast_in_dim3A_124 = vector.broadcast %broadcast_in_dim3A_123 : i32 to vector<16xi32>
          tpu.vector_store_idx %arg8[%add3A_107, %broadcast_in_dim3A_124], %gather3A_122 : memref<128x16xf32, #tpu.memory_space<vmem>>[vector<16xi32>, vector<16xi32>], vector<16xf32>,
          %add3A_125 = arith.constant 3 : i32
          %add3A_126 = vector.broadcast %add3A_125 : i32 to vector<16xi32>
          %add3A_127 = arith.addi %mul3A_103, %add3A_126 : vector<16xi32>
          %gather3A_128 = tpu.vector_load_idx %arg5[%add3A_127] : memref<100096xf32, #tpu.memory_space<vmem>>[vector<16xi32>], vector<16xf32>,
          %broadcast_in_dim3A_129 = arith.constant 3 : i32
          %broadcast_in_dim3A_130 = vector.broadcast %broadcast_in_dim3A_129 : i32 to vector<16xi32>
          tpu.vector_store_idx %arg8[%add3A_107, %broadcast_in_dim3A_130], %gather3A_128 : memref<128x16xf32, #tpu.memory_space<vmem>>[vector<16xi32>, vector<16xi32>], vector<16xf32>,
          %add3A_131 = arith.constant 4 : i32
          %add3A_132 = vector.broadcast %add3A_131 : i32 to vector<16xi32>
          %add3A_133 = arith.addi %mul3A_103, %add3A_132 : vector<16xi32>
          %gather3A_134 = tpu.vector_load_idx %arg5[%add3A_133] : memref<100096xf32, #tpu.memory_space<vmem>>[vector<16xi32>], vector<16xf32>,
          %broadcast_in_dim3A_135 = arith.constant 4 : i32
          %broadcast_in_dim3A_136 = vector.broadcast %broadcast_in_dim3A_135 : i32 to vector<16xi32>
          tpu.vector_store_idx %arg8[%add3A_107, %broadcast_in_dim3A_136], %gather3A_134 : memref<128x16xf32, #tpu.memory_space<vmem>>[vector<16xi32>, vector<16xi32>], vector<16xf32>,
          %add3A_137 = arith.constant 5 : i32
          %add3A_138 = vector.broadcast %add3A_137 : i32 to vector<16xi32>
          %add3A_139 = arith.addi %mul3A_103, %add3A_138 : vector<16xi32>
          %gather3A_140 = tpu.vector_load_idx %arg5[%add3A_139] : memref<100096xf32, #tpu.memory_space<vmem>>[vector<16xi32>], vector<16xf32>,
          %broadcast_in_dim3A_141 = arith.constant 5 : i32
          %broadcast_in_dim3A_142 = vector.broadcast %broadcast_in_dim3A_141 : i32 to vector<16xi32>
          tpu.vector_store_idx %arg8[%add3A_107, %broadcast_in_dim3A_142], %gather3A_140 : memref<128x16xf32, #tpu.memory_space<vmem>>[vector<16xi32>, vector<16xi32>], vector<16xf32>,
          %add3A_143 = arith.constant 6 : i32
          %add3A_144 = vector.broadcast %add3A_143 : i32 to vector<16xi32>
          %add3A_145 = arith.addi %mul3A_103, %add3A_144 : vector<16xi32>
          %gather3A_146 = tpu.vector_load_idx %arg5[%add3A_145] : memref<100096xf32, #tpu.memory_space<vmem>>[vector<16xi32>], vector<16xf32>,
          %broadcast_in_dim3A_147 = arith.constant 6 : i32
          %broadcast_in_dim3A_148 = vector.broadcast %broadcast_in_dim3A_147 : i32 to vector<16xi32>
          tpu.vector_store_idx %arg8[%add3A_107, %broadcast_in_dim3A_148], %gather3A_146 : memref<128x16xf32, #tpu.memory_space<vmem>>[vector<16xi32>, vector<16xi32>], vector<16xf32>,
          %add3A_149 = arith.constant 7 : i32
          %add3A_150 = vector.broadcast %add3A_149 : i32 to vector<16xi32>
          %add3A_151 = arith.addi %mul3A_103, %add3A_150 : vector<16xi32>
          %gather3A_152 = tpu.vector_load_idx %arg5[%add3A_151] : memref<100096xf32, #tpu.memory_space<vmem>>[vector<16xi32>], vector<16xf32>,
          %broadcast_in_dim3A_153 = arith.constant 7 : i32
          %broadcast_in_dim3A_154 = vector.broadcast %broadcast_in_dim3A_153 : i32 to vector<16xi32>
          tpu.vector_store_idx %arg8[%add3A_107, %broadcast_in_dim3A_154], %gather3A_152 : memref<128x16xf32, #tpu.memory_space<vmem>>[vector<16xi32>, vector<16xi32>], vector<16xf32>,
          %add3A_155 = arith.constant 8 : i32
          %add3A_156 = vector.broadcast %add3A_155 : i32 to vector<16xi32>
          %add3A_157 = arith.addi %mul3A_103, %add3A_156 : vector<16xi32>
          %gather3A_158 = tpu.vector_load_idx %arg5[%add3A_157] : memref<100096xf32, #tpu.memory_space<vmem>>[vector<16xi32>], vector<16xf32>,
          %broadcast_in_dim3A_159 = arith.constant 8 : i32
          %broadcast_in_dim3A_160 = vector.broadcast %broadcast_in_dim3A_159 : i32 to vector<16xi32>
          tpu.vector_store_idx %arg8[%add3A_107, %broadcast_in_dim3A_160], %gather3A_158 : memref<128x16xf32, #tpu.memory_space<vmem>>[vector<16xi32>, vector<16xi32>], vector<16xf32>,
          %add3A_161 = arith.constant 9 : i32
          %add3A_162 = vector.broadcast %add3A_161 : i32 to vector<16xi32>
          %add3A_163 = arith.addi %mul3A_103, %add3A_162 : vector<16xi32>
          %gather3A_164 = tpu.vector_load_idx %arg5[%add3A_163] : memref<100096xf32, #tpu.memory_space<vmem>>[vector<16xi32>], vector<16xf32>,
          %broadcast_in_dim3A_165 = arith.constant 9 : i32
          %broadcast_in_dim3A_166 = vector.broadcast %broadcast_in_dim3A_165 : i32 to vector<16xi32>
          tpu.vector_store_idx %arg8[%add3A_107, %broadcast_in_dim3A_166], %gather3A_164 : memref<128x16xf32, #tpu.memory_space<vmem>>[vector<16xi32>, vector<16xi32>], vector<16xf32>,
        }
        %scan3A_82 = arith.constant 8 : i32
        %add3A_83 = arith.constant 2 : i32
        %add3A_84 = arith.addi %scan3A_33, %add3A_83 : i32
        %lt3A_85 = arith.constant 79 : i32
        %lt3A_86 = arith.cmpi slt, %add3A_84, %lt3A_85 : i32
        %convert_element_type3A_87 = arith.extui %lt3A_86 : i1 to i32
        %cond3A_88 = arith.constant 0 : i32
        %cond3A_89 = arith.cmpi ne, %convert_element_type3A_87, %cond3A_88 : i32
        scf.if %cond3A_89 {
          %add3A_97 = arith.constant 2 : i32
          %add3A_98 = arith.addi %scan3A_33, %add3A_97 : i32
          %dma_start3A_99 = arith.constant 0 : i32
          %dma_start3A_100 = tpu.memref_slice %arg3[%add3A, %add3A_98, %dma_start3A_99] : memref<32x79x128xi32, #tpu.memory_space<hbm>> -> memref<1x1x128xi32, #tpu.memory_space<hbm>>
          %dma_start3A_101 = tpu.memref_squeeze %dma_start3A_100 : memref<1x1x128xi32, #tpu.memory_space<hbm>> -> memref<128xi32, #tpu.memory_space<hbm>>
          %dma_start3A_102 = arith.constant 0 : i32
          %dma_start3A_103 = tpu.memref_slice %arg3[%add3A, %add3A_98, %dma_start3A_102] : memref<32x79x128xi32, #tpu.memory_space<hbm>> -> memref<1x1x128xi32, #tpu.memory_space<hbm>>
          %dma_start3A_104 = tpu.memref_squeeze %dma_start3A_103 : memref<1x1x128xi32, #tpu.memory_space<hbm>> -> memref<128xi32, #tpu.memory_space<hbm>>
          tpu.enqueue_dma source(%dma_start3A_104 : memref<128xi32, #tpu.memory_space<hbm>>) target(%arg6 : memref<128xi32, #tpu.memory_space<vmem>>) target_semaphore(%arg9 : memref<!tpu.dma_semaphore, #tpu.memory_space<semaphore_mem>>)
        } else {
        }
        %mul3A_90 = arith.constant 128 : i32
        %mul3A_91 = arith.muli %scan3A_33, %mul3A_90 : i32
        %add3A_92 = arith.addi %mul3A_2, %mul3A_91 : i32
        %dma_start3A_93 = arith.constant 0 : i32
        %dma_start3A_94 = tpu.memref_slice %arg4[%add3A_92, %dma_start3A_93] : memref<323584x16xf32, #tpu.memory_space<hbm>> -> memref<128x16xf32, #tpu.memory_space<hbm>>
        %dma_start3A_95 = arith.constant 0 : i32
        %dma_start3A_96 = tpu.memref_slice %arg4[%add3A_92, %dma_start3A_95] : memref<323584x16xf32, #tpu.memory_space<hbm>> -> memref<128x16xf32, #tpu.memory_space<hbm>>
        tpu.enqueue_dma source(%arg8 : memref<128x16xf32, #tpu.memory_space<vmem>>) target(%dma_start3A_96 : memref<128x16xf32, #tpu.memory_space<hbm>>) target_semaphore(%arg11 : memref<!tpu.dma_semaphore, #tpu.memory_space<semaphore_mem>>)
      } else {
      }
      %jit3A_46 = arith.constant 2 : i32
      %eq3A_47 = arith.constant 0 : i32
      %eq3A_48 = arith.cmpi eq, %jit3A_46, %eq3A_47 : i32
      %jit3A_49 = arith.constant 1 : i32
      %select_n3A_50 = arith.select %eq3A_48, %jit3A_49, %jit3A_46 : i32
      %rem3A_51 = arith.remsi %scan3A_33, %select_n3A_50 : i32
      %ne3A_52 = arith.constant 0 : i32
      %ne3A_53 = arith.cmpi ne, %rem3A_51, %ne3A_52 : i32
      %lt3A_54 = arith.constant 0 : i32
      %lt3A_55 = arith.cmpi slt, %rem3A_51, %lt3A_54 : i32
      %lt3A_56 = arith.constant 0 : i32
      %lt3A_57 = arith.cmpi slt, %select_n3A_50, %lt3A_56 : i32
      %ne3A_58 = arith.xori %lt3A_55, %lt3A_57 : i1
      %and3A_59 = arith.andi %ne3A_58, %ne3A_53 : i1
      %add3A_60 = arith.addi %rem3A_51, %select_n3A_50 : i32
      %select_n3A_61 = arith.select %and3A_59, %add3A_60, %rem3A_51 : i32
      %eq3A_62 = arith.constant 1 : i32
      %eq3A_63 = arith.cmpi eq, %select_n3A_61, %eq3A_62 : i32
      %convert_element_type3A_64 = arith.extui %eq3A_63 : i1 to i32
      %cond3A_65 = arith.constant 0 : i32
      %cond3A_66 = arith.cmpi ne, %convert_element_type3A_64, %cond3A_65 : i32
      scf.if %cond3A_66 {
        %dma_wait3A_67 = arith.constant 0 : i32
        %dma_wait3A_68 = tpu.memref_slice %arg3[%add3A, %scan3A_33, %dma_wait3A_67] : memref<32x79x128xi32, #tpu.memory_space<hbm>> -> memref<1x1x128xi32, #tpu.memory_space<hbm>>
        %dma_wait3A_69 = tpu.memref_squeeze %dma_wait3A_68 : memref<1x1x128xi32, #tpu.memory_space<hbm>> -> memref<128xi32, #tpu.memory_space<hbm>>
        %dma_wait3A_70 = arith.constant 0 : i32
        %dma_wait3A_71 = tpu.memref_slice %arg3[%add3A, %scan3A_33, %dma_wait3A_70] : memref<32x79x128xi32, #tpu.memory_space<hbm>> -> memref<1x1x128xi32, #tpu.memory_space<hbm>>
        %dma_wait3A_72 = tpu.memref_squeeze %dma_wait3A_71 : memref<1x1x128xi32, #tpu.memory_space<hbm>> -> memref<128xi32, #tpu.memory_space<hbm>>
        tpu.wait_dma2 semaphore(%arg10 : memref<!tpu.dma_semaphore, #tpu.memory_space<semaphore_mem>>) src(%dma_wait3A_72 : memref<128xi32, #tpu.memory_space<hbm>>) dst(%arg7 : memref<128xi32, #tpu.memory_space<vmem>>)
        %ge3A = arith.constant 1 : i32
        %ge3A_73 = arith.cmpi sge, %scan3A_33, %ge3A : i32
        %convert_element_type3A_74 = arith.extui %ge3A_73 : i1 to i32
        %cond3A_75 = arith.constant 0 : i32
        %cond3A_76 = arith.cmpi ne, %convert_element_type3A_74, %cond3A_75 : i32
        scf.if %cond3A_76 {
          %sub3A = arith.constant 1 : i32
          %sub3A_97 = arith.subi %scan3A_33, %sub3A : i32
          %mul3A_98 = arith.constant 128 : i32
          %mul3A_99 = arith.muli %sub3A_97, %mul3A_98 : i32
          %add3A_100 = arith.addi %mul3A_2, %mul3A_99 : i32
          %dma_wait3A_101 = arith.constant 0 : i32
          %dma_wait3A_102 = tpu.memref_slice %arg4[%add3A_100, %dma_wait3A_101] : memref<323584x16xf32, #tpu.memory_space<hbm>> -> memref<128x16xf32, #tpu.memory_space<hbm>>
          %dma_wait3A_103 = arith.constant 0 : i32
          %dma_wait3A_104 = tpu.memref_slice %arg4[%add3A_100, %dma_wait3A_103] : memref<323584x16xf32, #tpu.memory_space<hbm>> -> memref<128x16xf32, #tpu.memory_space<hbm>>
          tpu.wait_dma2 semaphore(%arg11 : memref<!tpu.dma_semaphore, #tpu.memory_space<semaphore_mem>>) src(%arg8 : memref<128x16xf32, #tpu.memory_space<vmem>>) dst(%dma_wait3A_104 : memref<128x16xf32, #tpu.memory_space<hbm>>)
        } else {
        }
        %scan3A_77 = arith.constant 0 : i32
        %scan3A_78 = arith.constant 0 : i32
        %scan3A_79 = arith.constant 8 : i32
        %scan3A_80 = arith.addi %scan3A_78, %scan3A_79 : i32
        %scan3A_81 = arith.constant 1 : i32
        scf.for %scan3A_97 = %scan3A_78 to %scan3A_80 step %scan3A_81  : i32 {
          %mul3A_98 = arith.constant 16 : i32
          %mul3A_99 = arith.muli %scan3A_97, %mul3A_98 : i32
          %get3A = arith.index_cast %mul3A_99 : i32 to index
          %get3A_100 = tpu.vector_load %arg7[%get3A] {strides = array<i32>} : memref<128xi32, #tpu.memory_space<vmem>>, vector<16xi32>,
          %mul3A_101 = arith.constant 10 : i32
          %mul3A_102 = vector.broadcast %mul3A_101 : i32 to vector<16xi32>
          %mul3A_103 = arith.muli %get3A_100, %mul3A_102 : vector<16xi32>
          %mul3A_104 = arith.constant 16 : i32
          %mul3A_105 = arith.muli %scan3A_97, %mul3A_104 : i32
          %add3A_106 = vector.broadcast %mul3A_105 : i32 to vector<16xi32>
          %add3A_107 = arith.addi %add3A_106, %iota3A : vector<16xi32>
          %add3A_108 = arith.constant 0 : i32
          %add3A_109 = vector.broadcast %add3A_108 : i32 to vector<16xi32>
          %add3A_110 = arith.addi %mul3A_103, %add3A_109 : vector<16xi32>
          %gather3A = tpu.vector_load_idx %arg5[%add3A_110] : memref<100096xf32, #tpu.memory_space<vmem>>[vector<16xi32>], vector<16xf32>,
          %broadcast_in_dim3A_111 = arith.constant 0 : i32
          %broadcast_in_dim3A_112 = vector.broadcast %broadcast_in_dim3A_111 : i32 to vector<16xi32>
          tpu.vector_store_idx %arg8[%add3A_107, %broadcast_in_dim3A_112], %gather3A : memref<128x16xf32, #tpu.memory_space<vmem>>[vector<16xi32>, vector<16xi32>], vector<16xf32>,
          %add3A_113 = arith.constant 1 : i32
          %add3A_114 = vector.broadcast %add3A_113 : i32 to vector<16xi32>
          %add3A_115 = arith.addi %mul3A_103, %add3A_114 : vector<16xi32>
          %gather3A_116 = tpu.vector_load_idx %arg5[%add3A_115] : memref<100096xf32, #tpu.memory_space<vmem>>[vector<16xi32>], vector<16xf32>,
          %broadcast_in_dim3A_117 = arith.constant 1 : i32
          %broadcast_in_dim3A_118 = vector.broadcast %broadcast_in_dim3A_117 : i32 to vector<16xi32>
          tpu.vector_store_idx %arg8[%add3A_107, %broadcast_in_dim3A_118], %gather3A_116 : memref<128x16xf32, #tpu.memory_space<vmem>>[vector<16xi32>, vector<16xi32>], vector<16xf32>,
          %add3A_119 = arith.constant 2 : i32
          %add3A_120 = vector.broadcast %add3A_119 : i32 to vector<16xi32>
          %add3A_121 = arith.addi %mul3A_103, %add3A_120 : vector<16xi32>
          %gather3A_122 = tpu.vector_load_idx %arg5[%add3A_121] : memref<100096xf32, #tpu.memory_space<vmem>>[vector<16xi32>], vector<16xf32>,
          %broadcast_in_dim3A_123 = arith.constant 2 : i32
          %broadcast_in_dim3A_124 = vector.broadcast %broadcast_in_dim3A_123 : i32 to vector<16xi32>
          tpu.vector_store_idx %arg8[%add3A_107, %broadcast_in_dim3A_124], %gather3A_122 : memref<128x16xf32, #tpu.memory_space<vmem>>[vector<16xi32>, vector<16xi32>], vector<16xf32>,
          %add3A_125 = arith.constant 3 : i32
          %add3A_126 = vector.broadcast %add3A_125 : i32 to vector<16xi32>
          %add3A_127 = arith.addi %mul3A_103, %add3A_126 : vector<16xi32>
          %gather3A_128 = tpu.vector_load_idx %arg5[%add3A_127] : memref<100096xf32, #tpu.memory_space<vmem>>[vector<16xi32>], vector<16xf32>,
          %broadcast_in_dim3A_129 = arith.constant 3 : i32
          %broadcast_in_dim3A_130 = vector.broadcast %broadcast_in_dim3A_129 : i32 to vector<16xi32>
          tpu.vector_store_idx %arg8[%add3A_107, %broadcast_in_dim3A_130], %gather3A_128 : memref<128x16xf32, #tpu.memory_space<vmem>>[vector<16xi32>, vector<16xi32>], vector<16xf32>,
          %add3A_131 = arith.constant 4 : i32
          %add3A_132 = vector.broadcast %add3A_131 : i32 to vector<16xi32>
          %add3A_133 = arith.addi %mul3A_103, %add3A_132 : vector<16xi32>
          %gather3A_134 = tpu.vector_load_idx %arg5[%add3A_133] : memref<100096xf32, #tpu.memory_space<vmem>>[vector<16xi32>], vector<16xf32>,
          %broadcast_in_dim3A_135 = arith.constant 4 : i32
          %broadcast_in_dim3A_136 = vector.broadcast %broadcast_in_dim3A_135 : i32 to vector<16xi32>
          tpu.vector_store_idx %arg8[%add3A_107, %broadcast_in_dim3A_136], %gather3A_134 : memref<128x16xf32, #tpu.memory_space<vmem>>[vector<16xi32>, vector<16xi32>], vector<16xf32>,
          %add3A_137 = arith.constant 5 : i32
          %add3A_138 = vector.broadcast %add3A_137 : i32 to vector<16xi32>
          %add3A_139 = arith.addi %mul3A_103, %add3A_138 : vector<16xi32>
          %gather3A_140 = tpu.vector_load_idx %arg5[%add3A_139] : memref<100096xf32, #tpu.memory_space<vmem>>[vector<16xi32>], vector<16xf32>,
          %broadcast_in_dim3A_141 = arith.constant 5 : i32
          %broadcast_in_dim3A_142 = vector.broadcast %broadcast_in_dim3A_141 : i32 to vector<16xi32>
          tpu.vector_store_idx %arg8[%add3A_107, %broadcast_in_dim3A_142], %gather3A_140 : memref<128x16xf32, #tpu.memory_space<vmem>>[vector<16xi32>, vector<16xi32>], vector<16xf32>,
          %add3A_143 = arith.constant 6 : i32
          %add3A_144 = vector.broadcast %add3A_143 : i32 to vector<16xi32>
          %add3A_145 = arith.addi %mul3A_103, %add3A_144 : vector<16xi32>
          %gather3A_146 = tpu.vector_load_idx %arg5[%add3A_145] : memref<100096xf32, #tpu.memory_space<vmem>>[vector<16xi32>], vector<16xf32>,
          %broadcast_in_dim3A_147 = arith.constant 6 : i32
          %broadcast_in_dim3A_148 = vector.broadcast %broadcast_in_dim3A_147 : i32 to vector<16xi32>
          tpu.vector_store_idx %arg8[%add3A_107, %broadcast_in_dim3A_148], %gather3A_146 : memref<128x16xf32, #tpu.memory_space<vmem>>[vector<16xi32>, vector<16xi32>], vector<16xf32>,
          %add3A_149 = arith.constant 7 : i32
          %add3A_150 = vector.broadcast %add3A_149 : i32 to vector<16xi32>
          %add3A_151 = arith.addi %mul3A_103, %add3A_150 : vector<16xi32>
          %gather3A_152 = tpu.vector_load_idx %arg5[%add3A_151] : memref<100096xf32, #tpu.memory_space<vmem>>[vector<16xi32>], vector<16xf32>,
          %broadcast_in_dim3A_153 = arith.constant 7 : i32
          %broadcast_in_dim3A_154 = vector.broadcast %broadcast_in_dim3A_153 : i32 to vector<16xi32>
          tpu.vector_store_idx %arg8[%add3A_107, %broadcast_in_dim3A_154], %gather3A_152 : memref<128x16xf32, #tpu.memory_space<vmem>>[vector<16xi32>, vector<16xi32>], vector<16xf32>,
          %add3A_155 = arith.constant 8 : i32
          %add3A_156 = vector.broadcast %add3A_155 : i32 to vector<16xi32>
          %add3A_157 = arith.addi %mul3A_103, %add3A_156 : vector<16xi32>
          %gather3A_158 = tpu.vector_load_idx %arg5[%add3A_157] : memref<100096xf32, #tpu.memory_space<vmem>>[vector<16xi32>], vector<16xf32>,
          %broadcast_in_dim3A_159 = arith.constant 8 : i32
          %broadcast_in_dim3A_160 = vector.broadcast %broadcast_in_dim3A_159 : i32 to vector<16xi32>
          tpu.vector_store_idx %arg8[%add3A_107, %broadcast_in_dim3A_160], %gather3A_158 : memref<128x16xf32, #tpu.memory_space<vmem>>[vector<16xi32>, vector<16xi32>], vector<16xf32>,
          %add3A_161 = arith.constant 9 : i32
          %add3A_162 = vector.broadcast %add3A_161 : i32 to vector<16xi32>
          %add3A_163 = arith.addi %mul3A_103, %add3A_162 : vector<16xi32>
          %gather3A_164 = tpu.vector_load_idx %arg5[%add3A_163] : memref<100096xf32, #tpu.memory_space<vmem>>[vector<16xi32>], vector<16xf32>,
          %broadcast_in_dim3A_165 = arith.constant 9 : i32
          %broadcast_in_dim3A_166 = vector.broadcast %broadcast_in_dim3A_165 : i32 to vector<16xi32>
          tpu.vector_store_idx %arg8[%add3A_107, %broadcast_in_dim3A_166], %gather3A_164 : memref<128x16xf32, #tpu.memory_space<vmem>>[vector<16xi32>, vector<16xi32>], vector<16xf32>,
        }
        %scan3A_82 = arith.constant 8 : i32
        %add3A_83 = arith.constant 2 : i32
        %add3A_84 = arith.addi %scan3A_33, %add3A_83 : i32
        %lt3A_85 = arith.constant 79 : i32
        %lt3A_86 = arith.cmpi slt, %add3A_84, %lt3A_85 : i32
        %convert_element_type3A_87 = arith.extui %lt3A_86 : i1 to i32
        %cond3A_88 = arith.constant 0 : i32
        %cond3A_89 = arith.cmpi ne, %convert_element_type3A_87, %cond3A_88 : i32
        scf.if %cond3A_89 {
          %add3A_97 = arith.constant 2 : i32
          %add3A_98 = arith.addi %scan3A_33, %add3A_97 : i32
          %dma_start3A_99 = arith.constant 0 : i32
          %dma_start3A_100 = tpu.memref_slice %arg3[%add3A, %add3A_98, %dma_start3A_99] : memref<32x79x128xi32, #tpu.memory_space<hbm>> -> memref<1x1x128xi32, #tpu.memory_space<hbm>>
          %dma_start3A_101 = tpu.memref_squeeze %dma_start3A_100 : memref<1x1x128xi32, #tpu.memory_space<hbm>> -> memref<128xi32, #tpu.memory_space<hbm>>
          %dma_start3A_102 = arith.constant 0 : i32
          %dma_start3A_103 = tpu.memref_slice %arg3[%add3A, %add3A_98, %dma_start3A_102] : memref<32x79x128xi32, #tpu.memory_space<hbm>> -> memref<1x1x128xi32, #tpu.memory_space<hbm>>
          %dma_start3A_104 = tpu.memref_squeeze %dma_start3A_103 : memref<1x1x128xi32, #tpu.memory_space<hbm>> -> memref<128xi32, #tpu.memory_space<hbm>>
          tpu.enqueue_dma source(%dma_start3A_104 : memref<128xi32, #tpu.memory_space<hbm>>) target(%arg7 : memref<128xi32, #tpu.memory_space<vmem>>) target_semaphore(%arg10 : memref<!tpu.dma_semaphore, #tpu.memory_space<semaphore_mem>>)
        } else {
        }
        %mul3A_90 = arith.constant 128 : i32
        %mul3A_91 = arith.muli %scan3A_33, %mul3A_90 : i32
        %add3A_92 = arith.addi %mul3A_2, %mul3A_91 : i32
        %dma_start3A_93 = arith.constant 0 : i32
        %dma_start3A_94 = tpu.memref_slice %arg4[%add3A_92, %dma_start3A_93] : memref<323584x16xf32, #tpu.memory_space<hbm>> -> memref<128x16xf32, #tpu.memory_space<hbm>>
        %dma_start3A_95 = arith.constant 0 : i32
        %dma_start3A_96 = tpu.memref_slice %arg4[%add3A_92, %dma_start3A_95] : memref<323584x16xf32, #tpu.memory_space<hbm>> -> memref<128x16xf32, #tpu.memory_space<hbm>>
        tpu.enqueue_dma source(%arg8 : memref<128x16xf32, #tpu.memory_space<vmem>>) target(%dma_start3A_96 : memref<128x16xf32, #tpu.memory_space<hbm>>) target_semaphore(%arg11 : memref<!tpu.dma_semaphore, #tpu.memory_space<semaphore_mem>>)
      } else {
      }
    }
    %scan3A_27 = arith.constant 79 : i32
    %add3A_28 = arith.constant 9984 : i32
    %add3A_29 = arith.addi %mul3A_2, %add3A_28 : i32
    %dma_wait3A = arith.constant 0 : i32
    %dma_wait3A_30 = tpu.memref_slice %arg4[%add3A_29, %dma_wait3A] : memref<323584x16xf32, #tpu.memory_space<hbm>> -> memref<128x16xf32, #tpu.memory_space<hbm>>
    %dma_wait3A_31 = arith.constant 0 : i32
    %dma_wait3A_32 = tpu.memref_slice %arg4[%add3A_29, %dma_wait3A_31] : memref<323584x16xf32, #tpu.memory_space<hbm>> -> memref<128x16xf32, #tpu.memory_space<hbm>>
    tpu.wait_dma2 semaphore(%arg11 : memref<!tpu.dma_semaphore, #tpu.memory_space<semaphore_mem>>) src(%arg8 : memref<128x16xf32, #tpu.memory_space<vmem>>) dst(%dma_wait3A_32 : memref<128x16xf32, #tpu.memory_space<hbm>>)
    return
  }
}

#map = affine_map<(d0, d1) -> (0, 0)>
#map1 = affine_map<(d0, d1) -> (0, 0, 0)>
module attributes {stable_mosaic.version = 14 : i64} {
  func.func @_scatter_body(%arg0: i32, %arg1: i32, %arg2: memref<323584x20xf32, #tpu.memory_space<hbm>>, %arg3: memref<32x79x128xi32, #tpu.memory_space<hbm>>, %arg4: memref<2x10112x20xf32, #tpu.memory_space<hbm>>, %arg5: memref<128xi32, #tpu.memory_space<vmem>>, %arg6: memref<128xi32, #tpu.memory_space<vmem>>, %arg7: memref<128x20xf32, #tpu.memory_space<vmem>>, %arg8: memref<128x20xf32, #tpu.memory_space<vmem>>, %arg9: memref<128x128xf32, #tpu.memory_space<vmem>>, %arg10: memref<10112x128xf32, #tpu.memory_space<vmem_shared>>, %arg11: memref<!tpu.dma_semaphore, #tpu.memory_space<semaphore_mem>>, %arg12: memref<!tpu.dma_semaphore, #tpu.memory_space<semaphore_mem>>) attributes {dimension_semantics = [#tpu.dimension_semantics<core_parallel>, #tpu.dimension_semantics<subcore_parallel>], iteration_bounds = array<i64: 2, 16>, scalar_prefetch = 0 : i64, scratch_operands = 8 : i64, tpu.core_type = #tpu.core_type<sc_vector_subcore>, window_params = [{transform_indices = #map}, {transform_indices = #map1}, {transform_indices = #map1}]} {
    %mul3A = arith.constant 2 : i32
    %mul3A_0 = arith.muli %arg1, %mul3A : i32
    %add3A = arith.addi %mul3A_0, %arg0 : i32
    %iota3A = tpu.iota {dimensions = array<i32: 0>} : vector<16xi32>
    %broadcast_in_dim3A = arith.constant 0.000000e+00 : f32
    %broadcast_in_dim3A_1 = vector.broadcast %broadcast_in_dim3A : f32 to vector<16xf32>
    %jit3A = arith.constant 4 : i32
    %div3A = vector.broadcast %jit3A : i32 to vector<16xi32>
    %div3A_2 = arith.divsi %iota3A, %div3A : vector<16xi32>
    %sign3A = arith.constant 0 : i32
    %sign3A_3 = vector.broadcast %sign3A : i32 to vector<16xi32>
    %sign3A_4 = arith.cmpi sgt, %iota3A, %sign3A_3 : vector<16xi32>
    %sign3A_5 = arith.extui %sign3A_4 : vector<16xi1> to vector<16xi32>
    %sign3A_6 = arith.constant 0 : i32
    %sign3A_7 = vector.broadcast %sign3A_6 : i32 to vector<16xi32>
    %sign3A_8 = arith.cmpi slt, %iota3A, %sign3A_7 : vector<16xi32>
    %sign3A_9 = arith.extui %sign3A_8 : vector<16xi1> to vector<16xi32>
    %sign3A_10 = arith.subi %sign3A_5, %sign3A_9 : vector<16xi32>
    %sign3A_11 = arith.constant 0 : i32
    %sign3A_12 = arith.cmpi sgt, %jit3A, %sign3A_11 : i32
    %sign3A_13 = arith.extui %sign3A_12 : i1 to i32
    %sign3A_14 = arith.constant 0 : i32
    %sign3A_15 = arith.cmpi slt, %jit3A, %sign3A_14 : i32
    %sign3A_16 = arith.extui %sign3A_15 : i1 to i32
    %sign3A_17 = arith.subi %sign3A_13, %sign3A_16 : i32
    %ne3A = vector.broadcast %sign3A_17 : i32 to vector<16xi32>
    %ne3A_18 = arith.cmpi ne, %sign3A_10, %ne3A : vector<16xi32>
    %rem3A = vector.broadcast %jit3A : i32 to vector<16xi32>
    %rem3A_19 = arith.remsi %iota3A, %rem3A : vector<16xi32>
    %ne3A_20 = arith.constant 0 : i32
    %ne3A_21 = vector.broadcast %ne3A_20 : i32 to vector<16xi32>
    %ne3A_22 = arith.cmpi ne, %rem3A_19, %ne3A_21 : vector<16xi32>
    %and3A = arith.andi %ne3A_18, %ne3A_22 : vector<16xi1>
    %sub3A = arith.constant 1 : i32
    %sub3A_23 = vector.broadcast %sub3A : i32 to vector<16xi32>
    %sub3A_24 = arith.subi %div3A_2, %sub3A_23 : vector<16xi32>
    %select_n3A = arith.select %and3A, %sub3A_24, %div3A_2 : vector<16xi1>, vector<16xi32>
    %jit3A_25 = arith.constant 4 : i32
    %eq3A = arith.constant 0 : i32
    %eq3A_26 = arith.cmpi eq, %jit3A_25, %eq3A : i32
    %jit3A_27 = arith.constant 1 : i32
    %select_n3A_28 = arith.select %eq3A_26, %jit3A_27, %jit3A_25 : i32
    %rem3A_29 = vector.broadcast %select_n3A_28 : i32 to vector<16xi32>
    %rem3A_30 = arith.remsi %iota3A, %rem3A_29 : vector<16xi32>
    %ne3A_31 = arith.constant 0 : i32
    %ne3A_32 = vector.broadcast %ne3A_31 : i32 to vector<16xi32>
    %ne3A_33 = arith.cmpi ne, %rem3A_30, %ne3A_32 : vector<16xi32>
    %lt3A = arith.constant 0 : i32
    %lt3A_34 = vector.broadcast %lt3A : i32 to vector<16xi32>
    %lt3A_35 = arith.cmpi slt, %rem3A_30, %lt3A_34 : vector<16xi32>
    %lt3A_36 = arith.constant 0 : i32
    %lt3A_37 = arith.cmpi slt, %select_n3A_28, %lt3A_36 : i32
    %ne3A_38 = vector.broadcast %lt3A_37 : i1 to vector<16xi1>
    %ne3A_39 = vector.broadcast %ne3A_38 : vector<16xi1> to vector<16xi1>
    %ne3A_40 = arith.xori %lt3A_35, %ne3A_39 : vector<16xi1>
    %and3A_41 = arith.andi %ne3A_40, %ne3A_33 : vector<16xi1>
    %add3A_42 = vector.broadcast %select_n3A_28 : i32 to vector<16xi32>
    %add3A_43 = arith.addi %rem3A_30, %add3A_42 : vector<16xi32>
    %select_n3A_44 = arith.select %and3A_41, %add3A_43, %rem3A_30 : vector<16xi1>, vector<16xi32>
    %add3A_45 = arith.constant 16 : i32
    %add3A_46 = vector.broadcast %add3A_45 : i32 to vector<16xi32>
    %add3A_47 = arith.addi %add3A_46, %select_n3A_44 : vector<16xi32>
    %scan3A = arith.constant 0 : i32
    %scan3A_48 = arith.constant 0 : i32
    %scan3A_49 = arith.constant 128 : i32
    %scan3A_50 = arith.addi %scan3A_48, %scan3A_49 : i32
    %scan3A_51 = arith.constant 1 : i32
    scf.for %scan3A_119 = %scan3A_48 to %scan3A_50 step %scan3A_51  : i32 {
      %swap3A = arith.index_cast %scan3A_119 : i32 to index
      %swap3A_120 = arith.constant 0 : index
      %swap3A_121 = tpu.vector_load %arg9[%swap3A, %swap3A_120] {strides = array<i32>} : memref<128x128xf32, #tpu.memory_space<vmem>>, vector<16xf32>,
      tpu.vector_store %arg9[%swap3A, %swap3A_120], %broadcast_in_dim3A_1 {strides = array<i32>} : memref<128x128xf32, #tpu.memory_space<vmem>>, vector<16xf32>,
      %swap3A_122 = arith.index_cast %scan3A_119 : i32 to index
      %swap3A_123 = arith.constant 16 : index
      %swap3A_124 = tpu.vector_load %arg9[%swap3A_122, %swap3A_123] {strides = array<i32>} : memref<128x128xf32, #tpu.memory_space<vmem>>, vector<16xf32>,
      tpu.vector_store %arg9[%swap3A_122, %swap3A_123], %broadcast_in_dim3A_1 {strides = array<i32>} : memref<128x128xf32, #tpu.memory_space<vmem>>, vector<16xf32>,
      %swap3A_125 = arith.index_cast %scan3A_119 : i32 to index
      %swap3A_126 = arith.constant 32 : index
      %swap3A_127 = tpu.vector_load %arg9[%swap3A_125, %swap3A_126] {strides = array<i32>} : memref<128x128xf32, #tpu.memory_space<vmem>>, vector<16xf32>,
      tpu.vector_store %arg9[%swap3A_125, %swap3A_126], %broadcast_in_dim3A_1 {strides = array<i32>} : memref<128x128xf32, #tpu.memory_space<vmem>>, vector<16xf32>,
      %swap3A_128 = arith.index_cast %scan3A_119 : i32 to index
      %swap3A_129 = arith.constant 48 : index
      %swap3A_130 = tpu.vector_load %arg9[%swap3A_128, %swap3A_129] {strides = array<i32>} : memref<128x128xf32, #tpu.memory_space<vmem>>, vector<16xf32>,
      tpu.vector_store %arg9[%swap3A_128, %swap3A_129], %broadcast_in_dim3A_1 {strides = array<i32>} : memref<128x128xf32, #tpu.memory_space<vmem>>, vector<16xf32>,
      %swap3A_131 = arith.index_cast %scan3A_119 : i32 to index
      %swap3A_132 = arith.constant 64 : index
      %swap3A_133 = tpu.vector_load %arg9[%swap3A_131, %swap3A_132] {strides = array<i32>} : memref<128x128xf32, #tpu.memory_space<vmem>>, vector<16xf32>,
      tpu.vector_store %arg9[%swap3A_131, %swap3A_132], %broadcast_in_dim3A_1 {strides = array<i32>} : memref<128x128xf32, #tpu.memory_space<vmem>>, vector<16xf32>,
      %swap3A_134 = arith.index_cast %scan3A_119 : i32 to index
      %swap3A_135 = arith.constant 80 : index
      %swap3A_136 = tpu.vector_load %arg9[%swap3A_134, %swap3A_135] {strides = array<i32>} : memref<128x128xf32, #tpu.memory_space<vmem>>, vector<16xf32>,
      tpu.vector_store %arg9[%swap3A_134, %swap3A_135], %broadcast_in_dim3A_1 {strides = array<i32>} : memref<128x128xf32, #tpu.memory_space<vmem>>, vector<16xf32>,
      %swap3A_137 = arith.index_cast %scan3A_119 : i32 to index
      %swap3A_138 = arith.constant 96 : index
      %swap3A_139 = tpu.vector_load %arg9[%swap3A_137, %swap3A_138] {strides = array<i32>} : memref<128x128xf32, #tpu.memory_space<vmem>>, vector<16xf32>,
      tpu.vector_store %arg9[%swap3A_137, %swap3A_138], %broadcast_in_dim3A_1 {strides = array<i32>} : memref<128x128xf32, #tpu.memory_space<vmem>>, vector<16xf32>,
      %swap3A_140 = arith.index_cast %scan3A_119 : i32 to index
      %swap3A_141 = arith.constant 112 : index
      %swap3A_142 = tpu.vector_load %arg9[%swap3A_140, %swap3A_141] {strides = array<i32>} : memref<128x128xf32, #tpu.memory_space<vmem>>, vector<16xf32>,
      tpu.vector_store %arg9[%swap3A_140, %swap3A_141], %broadcast_in_dim3A_1 {strides = array<i32>} : memref<128x128xf32, #tpu.memory_space<vmem>>, vector<16xf32>,
    }
    %scan3A_52 = arith.constant 128 : i32
    %scan3A_53 = arith.constant 0 : i32
    %scan3A_54 = arith.constant 0 : i32
    %scan3A_55 = arith.constant 4 : i32
    %scan3A_56 = arith.addi %scan3A_54, %scan3A_55 : i32
    %scan3A_57 = arith.constant 1 : i32
    scf.for %scan3A_119 = %scan3A_54 to %scan3A_56 step %scan3A_57  : i32 {
      %mul3A_120 = arith.constant 632 : i32
      %mul3A_121 = arith.muli %arg1, %mul3A_120 : i32
      %mul3A_122 = arith.constant 128 : i32
      %mul3A_123 = arith.muli %scan3A_119, %mul3A_122 : i32
      %add3A_124 = arith.addi %mul3A_121, %mul3A_123 : i32
      "tpu.region"() ({
        %run_scoped3A = tpu.sem_alloc : memref<!tpu.dma_semaphore, #tpu.memory_space<semaphore_mem>>
        %dma_start3A_125 = arith.constant 0 : i32
        %dma_start3A_126 = tpu.memref_slice %arg10[%add3A_124, %dma_start3A_125] : memref<10112x128xf32, #tpu.memory_space<vmem_shared>> -> memref<128x128xf32, #tpu.memory_space<vmem_shared>>
        %dma_start3A_127 = arith.constant 0 : i32
        %dma_start3A_128 = tpu.memref_slice %arg10[%add3A_124, %dma_start3A_127] : memref<10112x128xf32, #tpu.memory_space<vmem_shared>> -> memref<128x128xf32, #tpu.memory_space<vmem_shared>>
        tpu.enqueue_dma source(%arg9 : memref<128x128xf32, #tpu.memory_space<vmem>>) target(%dma_start3A_128 : memref<128x128xf32, #tpu.memory_space<vmem_shared>>) target_semaphore(%run_scoped3A : memref<!tpu.dma_semaphore, #tpu.memory_space<semaphore_mem>>)
        %dma_wait3A = arith.constant 0 : i32
        %dma_wait3A_129 = tpu.memref_slice %arg10[%add3A_124, %dma_wait3A] : memref<10112x128xf32, #tpu.memory_space<vmem_shared>> -> memref<128x128xf32, #tpu.memory_space<vmem_shared>>
        %dma_wait3A_130 = arith.constant 0 : i32
        %dma_wait3A_131 = tpu.memref_slice %arg10[%add3A_124, %dma_wait3A_130] : memref<10112x128xf32, #tpu.memory_space<vmem_shared>> -> memref<128x128xf32, #tpu.memory_space<vmem_shared>>
        tpu.wait_dma2 semaphore(%run_scoped3A : memref<!tpu.dma_semaphore, #tpu.memory_space<semaphore_mem>>) src(%arg9 : memref<128x128xf32, #tpu.memory_space<vmem>>) dst(%dma_wait3A_131 : memref<128x128xf32, #tpu.memory_space<vmem_shared>>)
        tpu.yield
      }) : () -> ()
    }
    %scan3A_58 = arith.constant 4 : i32
    %mul3A_59 = arith.constant 632 : i32
    %mul3A_60 = arith.muli %arg1, %mul3A_59 : i32
    %add3A_61 = arith.constant 512 : i32
    %add3A_62 = arith.addi %mul3A_60, %add3A_61 : i32
    "tpu.region"() ({
      %run_scoped3A = tpu.sem_alloc : memref<!tpu.dma_semaphore, #tpu.memory_space<semaphore_mem>>
      %dma_start3A_119 = arith.constant 0 : i32
      %dma_start3A_120 = arith.constant 0 : i32
      %dma_start3A_121 = tpu.memref_slice %arg9[%dma_start3A_119, %dma_start3A_120] : memref<128x128xf32, #tpu.memory_space<vmem>> -> memref<120x128xf32, #tpu.memory_space<vmem>>
      %dma_start3A_122 = arith.constant 0 : i32
      %dma_start3A_123 = tpu.memref_slice %arg10[%add3A_62, %dma_start3A_122] : memref<10112x128xf32, #tpu.memory_space<vmem_shared>> -> memref<120x128xf32, #tpu.memory_space<vmem_shared>>
      %dma_start3A_124 = arith.constant 0 : i32
      %dma_start3A_125 = tpu.memref_slice %arg10[%add3A_62, %dma_start3A_124] : memref<10112x128xf32, #tpu.memory_space<vmem_shared>> -> memref<120x128xf32, #tpu.memory_space<vmem_shared>>
      %dma_start3A_126 = arith.constant 0 : i32
      %dma_start3A_127 = arith.constant 0 : i32
      %dma_start3A_128 = tpu.memref_slice %arg9[%dma_start3A_126, %dma_start3A_127] : memref<128x128xf32, #tpu.memory_space<vmem>> -> memref<120x128xf32, #tpu.memory_space<vmem>>
      tpu.enqueue_dma source(%dma_start3A_128 : memref<120x128xf32, #tpu.memory_space<vmem>>) target(%dma_start3A_125 : memref<120x128xf32, #tpu.memory_space<vmem_shared>>) target_semaphore(%run_scoped3A : memref<!tpu.dma_semaphore, #tpu.memory_space<semaphore_mem>>)
      %dma_wait3A = arith.constant 0 : i32
      %dma_wait3A_129 = arith.constant 0 : i32
      %dma_wait3A_130 = tpu.memref_slice %arg9[%dma_wait3A, %dma_wait3A_129] : memref<128x128xf32, #tpu.memory_space<vmem>> -> memref<120x128xf32, #tpu.memory_space<vmem>>
      %dma_wait3A_131 = arith.constant 0 : i32
      %dma_wait3A_132 = tpu.memref_slice %arg10[%add3A_62, %dma_wait3A_131] : memref<10112x128xf32, #tpu.memory_space<vmem_shared>> -> memref<120x128xf32, #tpu.memory_space<vmem_shared>>
      %dma_wait3A_133 = arith.constant 0 : i32
      %dma_wait3A_134 = tpu.memref_slice %arg10[%add3A_62, %dma_wait3A_133] : memref<10112x128xf32, #tpu.memory_space<vmem_shared>> -> memref<120x128xf32, #tpu.memory_space<vmem_shared>>
      %dma_wait3A_135 = arith.constant 0 : i32
      %dma_wait3A_136 = arith.constant 0 : i32
      %dma_wait3A_137 = tpu.memref_slice %arg9[%dma_wait3A_135, %dma_wait3A_136] : memref<128x128xf32, #tpu.memory_space<vmem>> -> memref<120x128xf32, #tpu.memory_space<vmem>>
      tpu.wait_dma2 semaphore(%run_scoped3A : memref<!tpu.dma_semaphore, #tpu.memory_space<semaphore_mem>>) src(%dma_wait3A_137 : memref<120x128xf32, #tpu.memory_space<vmem>>) dst(%dma_wait3A_134 : memref<120x128xf32, #tpu.memory_space<vmem_shared>>)
      tpu.yield
    }) : () -> ()
    %barrier3A = arith.constant 0 : index
    tpu.barrier barrier_id(%barrier3A)
    %dma_start3A = arith.constant 0 : i32
    %dma_start3A_63 = arith.constant 0 : i32
    %dma_start3A_64 = tpu.memref_slice %arg3[%add3A, %dma_start3A, %dma_start3A_63] : memref<32x79x128xi32, #tpu.memory_space<hbm>> -> memref<1x1x128xi32, #tpu.memory_space<hbm>>
    %dma_start3A_65 = tpu.memref_squeeze %dma_start3A_64 : memref<1x1x128xi32, #tpu.memory_space<hbm>> -> memref<128xi32, #tpu.memory_space<hbm>>
    %dma_start3A_66 = arith.constant 0 : i32
    %dma_start3A_67 = tpu.memref_slice %arg3[%add3A, %dma_start3A, %dma_start3A_66] : memref<32x79x128xi32, #tpu.memory_space<hbm>> -> memref<1x1x128xi32, #tpu.memory_space<hbm>>
    %dma_start3A_68 = tpu.memref_squeeze %dma_start3A_67 : memref<1x1x128xi32, #tpu.memory_space<hbm>> -> memref<128xi32, #tpu.memory_space<hbm>>
    tpu.enqueue_dma source(%dma_start3A_68 : memref<128xi32, #tpu.memory_space<hbm>>) target(%arg5 : memref<128xi32, #tpu.memory_space<vmem>>) target_semaphore(%arg11 : memref<!tpu.dma_semaphore, #tpu.memory_space<semaphore_mem>>)
    %mul3A_69 = arith.constant 10112 : i32
    %mul3A_70 = arith.muli %add3A, %mul3A_69 : i32
    %add3A_71 = arith.constant 0 : i32
    %add3A_72 = arith.addi %mul3A_70, %add3A_71 : i32
    %dma_start3A_73 = arith.constant 0 : i32
    %dma_start3A_74 = tpu.memref_slice %arg2[%add3A_72, %dma_start3A_73] : memref<323584x20xf32, #tpu.memory_space<hbm>> -> memref<128x20xf32, #tpu.memory_space<hbm>>
    %dma_start3A_75 = arith.constant 0 : i32
    %dma_start3A_76 = tpu.memref_slice %arg2[%add3A_72, %dma_start3A_75] : memref<323584x20xf32, #tpu.memory_space<hbm>> -> memref<128x20xf32, #tpu.memory_space<hbm>>
    tpu.enqueue_dma source(%dma_start3A_76 : memref<128x20xf32, #tpu.memory_space<hbm>>) target(%arg7 : memref<128x20xf32, #tpu.memory_space<vmem>>) target_semaphore(%arg11 : memref<!tpu.dma_semaphore, #tpu.memory_space<semaphore_mem>>)
    %dma_start3A_77 = arith.constant 1 : i32
    %dma_start3A_78 = arith.constant 0 : i32
    %dma_start3A_79 = tpu.memref_slice %arg3[%add3A, %dma_start3A_77, %dma_start3A_78] : memref<32x79x128xi32, #tpu.memory_space<hbm>> -> memref<1x1x128xi32, #tpu.memory_space<hbm>>
    %dma_start3A_80 = tpu.memref_squeeze %dma_start3A_79 : memref<1x1x128xi32, #tpu.memory_space<hbm>> -> memref<128xi32, #tpu.memory_space<hbm>>
    %dma_start3A_81 = arith.constant 0 : i32
    %dma_start3A_82 = tpu.memref_slice %arg3[%add3A, %dma_start3A_77, %dma_start3A_81] : memref<32x79x128xi32, #tpu.memory_space<hbm>> -> memref<1x1x128xi32, #tpu.memory_space<hbm>>
    %dma_start3A_83 = tpu.memref_squeeze %dma_start3A_82 : memref<1x1x128xi32, #tpu.memory_space<hbm>> -> memref<128xi32, #tpu.memory_space<hbm>>
    tpu.enqueue_dma source(%dma_start3A_83 : memref<128xi32, #tpu.memory_space<hbm>>) target(%arg6 : memref<128xi32, #tpu.memory_space<vmem>>) target_semaphore(%arg12 : memref<!tpu.dma_semaphore, #tpu.memory_space<semaphore_mem>>)
    %mul3A_84 = arith.constant 10112 : i32
    %mul3A_85 = arith.muli %add3A, %mul3A_84 : i32
    %add3A_86 = arith.constant 128 : i32
    %add3A_87 = arith.addi %mul3A_85, %add3A_86 : i32
    %dma_start3A_88 = arith.constant 0 : i32
    %dma_start3A_89 = tpu.memref_slice %arg2[%add3A_87, %dma_start3A_88] : memref<323584x20xf32, #tpu.memory_space<hbm>> -> memref<128x20xf32, #tpu.memory_space<hbm>>
    %dma_start3A_90 = arith.constant 0 : i32
    %dma_start3A_91 = tpu.memref_slice %arg2[%add3A_87, %dma_start3A_90] : memref<323584x20xf32, #tpu.memory_space<hbm>> -> memref<128x20xf32, #tpu.memory_space<hbm>>
    tpu.enqueue_dma source(%dma_start3A_91 : memref<128x20xf32, #tpu.memory_space<hbm>>) target(%arg8 : memref<128x20xf32, #tpu.memory_space<vmem>>) target_semaphore(%arg12 : memref<!tpu.dma_semaphore, #tpu.memory_space<semaphore_mem>>)
    %scan3A_92 = arith.constant 0 : i32
    %scan3A_93 = arith.constant 0 : i32
    %scan3A_94 = arith.constant 79 : i32
    %scan3A_95 = arith.addi %scan3A_93, %scan3A_94 : i32
    %scan3A_96 = arith.constant 1 : i32
    scf.for %scan3A_119 = %scan3A_93 to %scan3A_95 step %scan3A_96  : i32 {
      %jit3A_120 = arith.constant 2 : i32
      %eq3A_121 = arith.constant 0 : i32
      %eq3A_122 = arith.cmpi eq, %jit3A_120, %eq3A_121 : i32
      %jit3A_123 = arith.constant 1 : i32
      %select_n3A_124 = arith.select %eq3A_122, %jit3A_123, %jit3A_120 : i32
      %rem3A_125 = arith.remsi %scan3A_119, %select_n3A_124 : i32
      %ne3A_126 = arith.constant 0 : i32
      %ne3A_127 = arith.cmpi ne, %rem3A_125, %ne3A_126 : i32
      %lt3A_128 = arith.constant 0 : i32
      %lt3A_129 = arith.cmpi slt, %rem3A_125, %lt3A_128 : i32
      %lt3A_130 = arith.constant 0 : i32
      %lt3A_131 = arith.cmpi slt, %select_n3A_124, %lt3A_130 : i32
      %ne3A_132 = arith.xori %lt3A_129, %lt3A_131 : i1
      %and3A_133 = arith.andi %ne3A_132, %ne3A_127 : i1
      %add3A_134 = arith.addi %rem3A_125, %select_n3A_124 : i32
      %select_n3A_135 = arith.select %and3A_133, %add3A_134, %rem3A_125 : i32
      %eq3A_136 = arith.constant 0 : i32
      %eq3A_137 = arith.cmpi eq, %select_n3A_135, %eq3A_136 : i32
      %convert_element_type3A = arith.extui %eq3A_137 : i1 to i32
      %cond3A = arith.constant 0 : i32
      %cond3A_138 = arith.cmpi ne, %convert_element_type3A, %cond3A : i32
      scf.if %cond3A_138 {
        %dma_wait3A = arith.constant 0 : i32
        %dma_wait3A_160 = tpu.memref_slice %arg3[%add3A, %scan3A_119, %dma_wait3A] : memref<32x79x128xi32, #tpu.memory_space<hbm>> -> memref<1x1x128xi32, #tpu.memory_space<hbm>>
        %dma_wait3A_161 = tpu.memref_squeeze %dma_wait3A_160 : memref<1x1x128xi32, #tpu.memory_space<hbm>> -> memref<128xi32, #tpu.memory_space<hbm>>
        %dma_wait3A_162 = arith.constant 0 : i32
        %dma_wait3A_163 = tpu.memref_slice %arg3[%add3A, %scan3A_119, %dma_wait3A_162] : memref<32x79x128xi32, #tpu.memory_space<hbm>> -> memref<1x1x128xi32, #tpu.memory_space<hbm>>
        %dma_wait3A_164 = tpu.memref_squeeze %dma_wait3A_163 : memref<1x1x128xi32, #tpu.memory_space<hbm>> -> memref<128xi32, #tpu.memory_space<hbm>>
        tpu.wait_dma2 semaphore(%arg11 : memref<!tpu.dma_semaphore, #tpu.memory_space<semaphore_mem>>) src(%dma_wait3A_164 : memref<128xi32, #tpu.memory_space<hbm>>) dst(%arg5 : memref<128xi32, #tpu.memory_space<vmem>>)
        %mul3A_165 = arith.constant 10112 : i32
        %mul3A_166 = arith.muli %add3A, %mul3A_165 : i32
        %mul3A_167 = arith.constant 128 : i32
        %mul3A_168 = arith.muli %scan3A_119, %mul3A_167 : i32
        %add3A_169 = arith.addi %mul3A_166, %mul3A_168 : i32
        %dma_wait3A_170 = arith.constant 0 : i32
        %dma_wait3A_171 = tpu.memref_slice %arg2[%add3A_169, %dma_wait3A_170] : memref<323584x20xf32, #tpu.memory_space<hbm>> -> memref<128x20xf32, #tpu.memory_space<hbm>>
        %dma_wait3A_172 = arith.constant 0 : i32
        %dma_wait3A_173 = tpu.memref_slice %arg2[%add3A_169, %dma_wait3A_172] : memref<323584x20xf32, #tpu.memory_space<hbm>> -> memref<128x20xf32, #tpu.memory_space<hbm>>
        tpu.wait_dma2 semaphore(%arg11 : memref<!tpu.dma_semaphore, #tpu.memory_space<semaphore_mem>>) src(%dma_wait3A_173 : memref<128x20xf32, #tpu.memory_space<hbm>>) dst(%arg7 : memref<128x20xf32, #tpu.memory_space<vmem>>)
        %scan3A_174 = arith.constant 0 : i32
        %scan3A_175 = arith.constant 0 : i32
        %scan3A_176 = arith.constant 32 : i32
        %scan3A_177 = arith.addi %scan3A_175, %scan3A_176 : i32
        %scan3A_178 = arith.constant 1 : i32
        scf.for %scan3A_187 = %scan3A_175 to %scan3A_177 step %scan3A_178  : i32 {
          %mul3A_188 = arith.constant 4 : i32
          %mul3A_189 = arith.muli %scan3A_187, %mul3A_188 : i32
          %add3A_190 = arith.constant 0 : i32
          %add3A_191 = arith.addi %mul3A_189, %add3A_190 : i32
          %broadcast_in_dim3A_192 = vector.broadcast %add3A_191 : i32 to vector<16xi32>
          %gather3A = tpu.vector_load_idx %arg7[%broadcast_in_dim3A_192, %iota3A] : memref<128x20xf32, #tpu.memory_space<vmem>>[vector<16xi32>, vector<16xi32>], vector<16xf32>,
          tpu.vector_store_idx %arg9[%broadcast_in_dim3A_192, %iota3A], %gather3A : memref<128x128xf32, #tpu.memory_space<vmem>>[vector<16xi32>, vector<16xi32>], vector<16xf32>,
          %mul3A_193 = arith.constant 4 : i32
          %mul3A_194 = arith.muli %scan3A_187, %mul3A_193 : i32
          %add3A_195 = arith.constant 1 : i32
          %add3A_196 = arith.addi %mul3A_194, %add3A_195 : i32
          %broadcast_in_dim3A_197 = vector.broadcast %add3A_196 : i32 to vector<16xi32>
          %gather3A_198 = tpu.vector_load_idx %arg7[%broadcast_in_dim3A_197, %iota3A] : memref<128x20xf32, #tpu.memory_space<vmem>>[vector<16xi32>, vector<16xi32>], vector<16xf32>,
          tpu.vector_store_idx %arg9[%broadcast_in_dim3A_197, %iota3A], %gather3A_198 : memref<128x128xf32, #tpu.memory_space<vmem>>[vector<16xi32>, vector<16xi32>], vector<16xf32>,
          %mul3A_199 = arith.constant 4 : i32
          %mul3A_200 = arith.muli %scan3A_187, %mul3A_199 : i32
          %add3A_201 = arith.constant 2 : i32
          %add3A_202 = arith.addi %mul3A_200, %add3A_201 : i32
          %broadcast_in_dim3A_203 = vector.broadcast %add3A_202 : i32 to vector<16xi32>
          %gather3A_204 = tpu.vector_load_idx %arg7[%broadcast_in_dim3A_203, %iota3A] : memref<128x20xf32, #tpu.memory_space<vmem>>[vector<16xi32>, vector<16xi32>], vector<16xf32>,
          tpu.vector_store_idx %arg9[%broadcast_in_dim3A_203, %iota3A], %gather3A_204 : memref<128x128xf32, #tpu.memory_space<vmem>>[vector<16xi32>, vector<16xi32>], vector<16xf32>,
          %mul3A_205 = arith.constant 4 : i32
          %mul3A_206 = arith.muli %scan3A_187, %mul3A_205 : i32
          %add3A_207 = arith.constant 3 : i32
          %add3A_208 = arith.addi %mul3A_206, %add3A_207 : i32
          %broadcast_in_dim3A_209 = vector.broadcast %add3A_208 : i32 to vector<16xi32>
          %gather3A_210 = tpu.vector_load_idx %arg7[%broadcast_in_dim3A_209, %iota3A] : memref<128x20xf32, #tpu.memory_space<vmem>>[vector<16xi32>, vector<16xi32>], vector<16xf32>,
          tpu.vector_store_idx %arg9[%broadcast_in_dim3A_209, %iota3A], %gather3A_210 : memref<128x128xf32, #tpu.memory_space<vmem>>[vector<16xi32>, vector<16xi32>], vector<16xf32>,
          %mul3A_211 = arith.constant 4 : i32
          %mul3A_212 = arith.muli %scan3A_187, %mul3A_211 : i32
          %add3A_213 = vector.broadcast %mul3A_212 : i32 to vector<16xi32>
          %add3A_214 = arith.addi %add3A_213, %select_n3A : vector<16xi32>
          %gather3A_215 = tpu.vector_load_idx %arg7[%add3A_214, %add3A_47] : memref<128x20xf32, #tpu.memory_space<vmem>>[vector<16xi32>, vector<16xi32>], vector<16xf32>,
          %mul3A_216 = arith.constant 4 : i32
          %mul3A_217 = arith.muli %scan3A_187, %mul3A_216 : i32
          %add3A_218 = vector.broadcast %mul3A_217 : i32 to vector<16xi32>
          %add3A_219 = arith.addi %add3A_218, %select_n3A : vector<16xi32>
          tpu.vector_store_idx %arg9[%add3A_219, %add3A_47], %gather3A_215 : memref<128x128xf32, #tpu.memory_space<vmem>>[vector<16xi32>, vector<16xi32>], vector<16xf32>,
        }
        %scan3A_179 = arith.constant 32 : i32
        "tpu.region"() ({
          %run_scoped3A = tpu.sem_alloc : memref<!tpu.dma_semaphore, #tpu.memory_space<semaphore_mem>>
          %dma_start3A_187 = arith.constant 0 : i32
          %dma_start3A_188 = arith.constant 0 : i32
          %dma_start3A_189 = tpu.memref_slice %arg10[%dma_start3A_187, %dma_start3A_188] : memref<10112x128xf32, #tpu.memory_space<vmem_shared>> -> memref<10112x128xf32, #tpu.memory_space<vmem_shared>>
          tpu.enqueue_indirect_dma source(%arg9 : memref<128x128xf32, #tpu.memory_space<vmem>>) target(%dma_start3A_189 : memref<10112x128xf32, #tpu.memory_space<vmem_shared>>) offsets(%arg5 : memref<128xi32, #tpu.memory_space<vmem>>) semaphore(%run_scoped3A : memref<!tpu.dma_semaphore, #tpu.memory_space<semaphore_mem>>) {add = true}
          %dma_wait3A_190 = arith.constant 0 : i32
          %dma_wait3A_191 = arith.constant 0 : i32
          %dma_wait3A_192 = tpu.memref_slice %arg10[%dma_wait3A_190, %dma_wait3A_191] : memref<10112x128xf32, #tpu.memory_space<vmem_shared>> -> memref<10112x128xf32, #tpu.memory_space<vmem_shared>>
          tpu.wait_indirect_dma semaphore(%run_scoped3A : memref<!tpu.dma_semaphore, #tpu.memory_space<semaphore_mem>>) src(%arg9 : memref<128x128xf32, #tpu.memory_space<vmem>>) dst(%dma_wait3A_192 : memref<10112x128xf32, #tpu.memory_space<vmem_shared>>)
          tpu.yield
        }) : () -> ()
        %add3A_180 = arith.constant 2 : i32
        %add3A_181 = arith.addi %scan3A_119, %add3A_180 : i32
        %lt3A_182 = arith.constant 79 : i32
        %lt3A_183 = arith.cmpi slt, %add3A_181, %lt3A_182 : i32
        %convert_element_type3A_184 = arith.extui %lt3A_183 : i1 to i32
        %cond3A_185 = arith.constant 0 : i32
        %cond3A_186 = arith.cmpi ne, %convert_element_type3A_184, %cond3A_185 : i32
        scf.if %cond3A_186 {
          %add3A_187 = arith.constant 2 : i32
          %add3A_188 = arith.addi %scan3A_119, %add3A_187 : i32
          %dma_start3A_189 = arith.constant 0 : i32
          %dma_start3A_190 = tpu.memref_slice %arg3[%add3A, %add3A_188, %dma_start3A_189] : memref<32x79x128xi32, #tpu.memory_space<hbm>> -> memref<1x1x128xi32, #tpu.memory_space<hbm>>
          %dma_start3A_191 = tpu.memref_squeeze %dma_start3A_190 : memref<1x1x128xi32, #tpu.memory_space<hbm>> -> memref<128xi32, #tpu.memory_space<hbm>>
          %dma_start3A_192 = arith.constant 0 : i32
          %dma_start3A_193 = tpu.memref_slice %arg3[%add3A, %add3A_188, %dma_start3A_192] : memref<32x79x128xi32, #tpu.memory_space<hbm>> -> memref<1x1x128xi32, #tpu.memory_space<hbm>>
          %dma_start3A_194 = tpu.memref_squeeze %dma_start3A_193 : memref<1x1x128xi32, #tpu.memory_space<hbm>> -> memref<128xi32, #tpu.memory_space<hbm>>
          tpu.enqueue_dma source(%dma_start3A_194 : memref<128xi32, #tpu.memory_space<hbm>>) target(%arg5 : memref<128xi32, #tpu.memory_space<vmem>>) target_semaphore(%arg11 : memref<!tpu.dma_semaphore, #tpu.memory_space<semaphore_mem>>)
          %mul3A_195 = arith.constant 10112 : i32
          %mul3A_196 = arith.muli %add3A, %mul3A_195 : i32
          %mul3A_197 = arith.constant 128 : i32
          %mul3A_198 = arith.muli %add3A_188, %mul3A_197 : i32
          %add3A_199 = arith.addi %mul3A_196, %mul3A_198 : i32
          %dma_start3A_200 = arith.constant 0 : i32
          %dma_start3A_201 = tpu.memref_slice %arg2[%add3A_199, %dma_start3A_200] : memref<323584x20xf32, #tpu.memory_space<hbm>> -> memref<128x20xf32, #tpu.memory_space<hbm>>
          %dma_start3A_202 = arith.constant 0 : i32
          %dma_start3A_203 = tpu.memref_slice %arg2[%add3A_199, %dma_start3A_202] : memref<323584x20xf32, #tpu.memory_space<hbm>> -> memref<128x20xf32, #tpu.memory_space<hbm>>
          tpu.enqueue_dma source(%dma_start3A_203 : memref<128x20xf32, #tpu.memory_space<hbm>>) target(%arg7 : memref<128x20xf32, #tpu.memory_space<vmem>>) target_semaphore(%arg11 : memref<!tpu.dma_semaphore, #tpu.memory_space<semaphore_mem>>)
        } else {
        }
      } else {
      }
      %jit3A_139 = arith.constant 2 : i32
      %eq3A_140 = arith.constant 0 : i32
      %eq3A_141 = arith.cmpi eq, %jit3A_139, %eq3A_140 : i32
      %jit3A_142 = arith.constant 1 : i32
      %select_n3A_143 = arith.select %eq3A_141, %jit3A_142, %jit3A_139 : i32
      %rem3A_144 = arith.remsi %scan3A_119, %select_n3A_143 : i32
      %ne3A_145 = arith.constant 0 : i32
      %ne3A_146 = arith.cmpi ne, %rem3A_144, %ne3A_145 : i32
      %lt3A_147 = arith.constant 0 : i32
      %lt3A_148 = arith.cmpi slt, %rem3A_144, %lt3A_147 : i32
      %lt3A_149 = arith.constant 0 : i32
      %lt3A_150 = arith.cmpi slt, %select_n3A_143, %lt3A_149 : i32
      %ne3A_151 = arith.xori %lt3A_148, %lt3A_150 : i1
      %and3A_152 = arith.andi %ne3A_151, %ne3A_146 : i1
      %add3A_153 = arith.addi %rem3A_144, %select_n3A_143 : i32
      %select_n3A_154 = arith.select %and3A_152, %add3A_153, %rem3A_144 : i32
      %eq3A_155 = arith.constant 1 : i32
      %eq3A_156 = arith.cmpi eq, %select_n3A_154, %eq3A_155 : i32
      %convert_element_type3A_157 = arith.extui %eq3A_156 : i1 to i32
      %cond3A_158 = arith.constant 0 : i32
      %cond3A_159 = arith.cmpi ne, %convert_element_type3A_157, %cond3A_158 : i32
      scf.if %cond3A_159 {
        %dma_wait3A = arith.constant 0 : i32
        %dma_wait3A_160 = tpu.memref_slice %arg3[%add3A, %scan3A_119, %dma_wait3A] : memref<32x79x128xi32, #tpu.memory_space<hbm>> -> memref<1x1x128xi32, #tpu.memory_space<hbm>>
        %dma_wait3A_161 = tpu.memref_squeeze %dma_wait3A_160 : memref<1x1x128xi32, #tpu.memory_space<hbm>> -> memref<128xi32, #tpu.memory_space<hbm>>
        %dma_wait3A_162 = arith.constant 0 : i32
        %dma_wait3A_163 = tpu.memref_slice %arg3[%add3A, %scan3A_119, %dma_wait3A_162] : memref<32x79x128xi32, #tpu.memory_space<hbm>> -> memref<1x1x128xi32, #tpu.memory_space<hbm>>
        %dma_wait3A_164 = tpu.memref_squeeze %dma_wait3A_163 : memref<1x1x128xi32, #tpu.memory_space<hbm>> -> memref<128xi32, #tpu.memory_space<hbm>>
        tpu.wait_dma2 semaphore(%arg12 : memref<!tpu.dma_semaphore, #tpu.memory_space<semaphore_mem>>) src(%dma_wait3A_164 : memref<128xi32, #tpu.memory_space<hbm>>) dst(%arg6 : memref<128xi32, #tpu.memory_space<vmem>>)
        %mul3A_165 = arith.constant 10112 : i32
        %mul3A_166 = arith.muli %add3A, %mul3A_165 : i32
        %mul3A_167 = arith.constant 128 : i32
        %mul3A_168 = arith.muli %scan3A_119, %mul3A_167 : i32
        %add3A_169 = arith.addi %mul3A_166, %mul3A_168 : i32
        %dma_wait3A_170 = arith.constant 0 : i32
        %dma_wait3A_171 = tpu.memref_slice %arg2[%add3A_169, %dma_wait3A_170] : memref<323584x20xf32, #tpu.memory_space<hbm>> -> memref<128x20xf32, #tpu.memory_space<hbm>>
        %dma_wait3A_172 = arith.constant 0 : i32
        %dma_wait3A_173 = tpu.memref_slice %arg2[%add3A_169, %dma_wait3A_172] : memref<323584x20xf32, #tpu.memory_space<hbm>> -> memref<128x20xf32, #tpu.memory_space<hbm>>
        tpu.wait_dma2 semaphore(%arg12 : memref<!tpu.dma_semaphore, #tpu.memory_space<semaphore_mem>>) src(%dma_wait3A_173 : memref<128x20xf32, #tpu.memory_space<hbm>>) dst(%arg8 : memref<128x20xf32, #tpu.memory_space<vmem>>)
        %scan3A_174 = arith.constant 0 : i32
        %scan3A_175 = arith.constant 0 : i32
        %scan3A_176 = arith.constant 32 : i32
        %scan3A_177 = arith.addi %scan3A_175, %scan3A_176 : i32
        %scan3A_178 = arith.constant 1 : i32
        scf.for %scan3A_187 = %scan3A_175 to %scan3A_177 step %scan3A_178  : i32 {
          %mul3A_188 = arith.constant 4 : i32
          %mul3A_189 = arith.muli %scan3A_187, %mul3A_188 : i32
          %add3A_190 = arith.constant 0 : i32
          %add3A_191 = arith.addi %mul3A_189, %add3A_190 : i32
          %broadcast_in_dim3A_192 = vector.broadcast %add3A_191 : i32 to vector<16xi32>
          %gather3A = tpu.vector_load_idx %arg8[%broadcast_in_dim3A_192, %iota3A] : memref<128x20xf32, #tpu.memory_space<vmem>>[vector<16xi32>, vector<16xi32>], vector<16xf32>,
          tpu.vector_store_idx %arg9[%broadcast_in_dim3A_192, %iota3A], %gather3A : memref<128x128xf32, #tpu.memory_space<vmem>>[vector<16xi32>, vector<16xi32>], vector<16xf32>,
          %mul3A_193 = arith.constant 4 : i32
          %mul3A_194 = arith.muli %scan3A_187, %mul3A_193 : i32
          %add3A_195 = arith.constant 1 : i32
          %add3A_196 = arith.addi %mul3A_194, %add3A_195 : i32
          %broadcast_in_dim3A_197 = vector.broadcast %add3A_196 : i32 to vector<16xi32>
          %gather3A_198 = tpu.vector_load_idx %arg8[%broadcast_in_dim3A_197, %iota3A] : memref<128x20xf32, #tpu.memory_space<vmem>>[vector<16xi32>, vector<16xi32>], vector<16xf32>,
          tpu.vector_store_idx %arg9[%broadcast_in_dim3A_197, %iota3A], %gather3A_198 : memref<128x128xf32, #tpu.memory_space<vmem>>[vector<16xi32>, vector<16xi32>], vector<16xf32>,
          %mul3A_199 = arith.constant 4 : i32
          %mul3A_200 = arith.muli %scan3A_187, %mul3A_199 : i32
          %add3A_201 = arith.constant 2 : i32
          %add3A_202 = arith.addi %mul3A_200, %add3A_201 : i32
          %broadcast_in_dim3A_203 = vector.broadcast %add3A_202 : i32 to vector<16xi32>
          %gather3A_204 = tpu.vector_load_idx %arg8[%broadcast_in_dim3A_203, %iota3A] : memref<128x20xf32, #tpu.memory_space<vmem>>[vector<16xi32>, vector<16xi32>], vector<16xf32>,
          tpu.vector_store_idx %arg9[%broadcast_in_dim3A_203, %iota3A], %gather3A_204 : memref<128x128xf32, #tpu.memory_space<vmem>>[vector<16xi32>, vector<16xi32>], vector<16xf32>,
          %mul3A_205 = arith.constant 4 : i32
          %mul3A_206 = arith.muli %scan3A_187, %mul3A_205 : i32
          %add3A_207 = arith.constant 3 : i32
          %add3A_208 = arith.addi %mul3A_206, %add3A_207 : i32
          %broadcast_in_dim3A_209 = vector.broadcast %add3A_208 : i32 to vector<16xi32>
          %gather3A_210 = tpu.vector_load_idx %arg8[%broadcast_in_dim3A_209, %iota3A] : memref<128x20xf32, #tpu.memory_space<vmem>>[vector<16xi32>, vector<16xi32>], vector<16xf32>,
          tpu.vector_store_idx %arg9[%broadcast_in_dim3A_209, %iota3A], %gather3A_210 : memref<128x128xf32, #tpu.memory_space<vmem>>[vector<16xi32>, vector<16xi32>], vector<16xf32>,
          %mul3A_211 = arith.constant 4 : i32
          %mul3A_212 = arith.muli %scan3A_187, %mul3A_211 : i32
          %add3A_213 = vector.broadcast %mul3A_212 : i32 to vector<16xi32>
          %add3A_214 = arith.addi %add3A_213, %select_n3A : vector<16xi32>
          %gather3A_215 = tpu.vector_load_idx %arg8[%add3A_214, %add3A_47] : memref<128x20xf32, #tpu.memory_space<vmem>>[vector<16xi32>, vector<16xi32>], vector<16xf32>,
          %mul3A_216 = arith.constant 4 : i32
          %mul3A_217 = arith.muli %scan3A_187, %mul3A_216 : i32
          %add3A_218 = vector.broadcast %mul3A_217 : i32 to vector<16xi32>
          %add3A_219 = arith.addi %add3A_218, %select_n3A : vector<16xi32>
          tpu.vector_store_idx %arg9[%add3A_219, %add3A_47], %gather3A_215 : memref<128x128xf32, #tpu.memory_space<vmem>>[vector<16xi32>, vector<16xi32>], vector<16xf32>,
        }
        %scan3A_179 = arith.constant 32 : i32
        "tpu.region"() ({
          %run_scoped3A = tpu.sem_alloc : memref<!tpu.dma_semaphore, #tpu.memory_space<semaphore_mem>>
          %dma_start3A_187 = arith.constant 0 : i32
          %dma_start3A_188 = arith.constant 0 : i32
          %dma_start3A_189 = tpu.memref_slice %arg10[%dma_start3A_187, %dma_start3A_188] : memref<10112x128xf32, #tpu.memory_space<vmem_shared>> -> memref<10112x128xf32, #tpu.memory_space<vmem_shared>>
          tpu.enqueue_indirect_dma source(%arg9 : memref<128x128xf32, #tpu.memory_space<vmem>>) target(%dma_start3A_189 : memref<10112x128xf32, #tpu.memory_space<vmem_shared>>) offsets(%arg6 : memref<128xi32, #tpu.memory_space<vmem>>) semaphore(%run_scoped3A : memref<!tpu.dma_semaphore, #tpu.memory_space<semaphore_mem>>) {add = true}
          %dma_wait3A_190 = arith.constant 0 : i32
          %dma_wait3A_191 = arith.constant 0 : i32
          %dma_wait3A_192 = tpu.memref_slice %arg10[%dma_wait3A_190, %dma_wait3A_191] : memref<10112x128xf32, #tpu.memory_space<vmem_shared>> -> memref<10112x128xf32, #tpu.memory_space<vmem_shared>>
          tpu.wait_indirect_dma semaphore(%run_scoped3A : memref<!tpu.dma_semaphore, #tpu.memory_space<semaphore_mem>>) src(%arg9 : memref<128x128xf32, #tpu.memory_space<vmem>>) dst(%dma_wait3A_192 : memref<10112x128xf32, #tpu.memory_space<vmem_shared>>)
          tpu.yield
        }) : () -> ()
        %add3A_180 = arith.constant 2 : i32
        %add3A_181 = arith.addi %scan3A_119, %add3A_180 : i32
        %lt3A_182 = arith.constant 79 : i32
        %lt3A_183 = arith.cmpi slt, %add3A_181, %lt3A_182 : i32
        %convert_element_type3A_184 = arith.extui %lt3A_183 : i1 to i32
        %cond3A_185 = arith.constant 0 : i32
        %cond3A_186 = arith.cmpi ne, %convert_element_type3A_184, %cond3A_185 : i32
        scf.if %cond3A_186 {
          %add3A_187 = arith.constant 2 : i32
          %add3A_188 = arith.addi %scan3A_119, %add3A_187 : i32
          %dma_start3A_189 = arith.constant 0 : i32
          %dma_start3A_190 = tpu.memref_slice %arg3[%add3A, %add3A_188, %dma_start3A_189] : memref<32x79x128xi32, #tpu.memory_space<hbm>> -> memref<1x1x128xi32, #tpu.memory_space<hbm>>
          %dma_start3A_191 = tpu.memref_squeeze %dma_start3A_190 : memref<1x1x128xi32, #tpu.memory_space<hbm>> -> memref<128xi32, #tpu.memory_space<hbm>>
          %dma_start3A_192 = arith.constant 0 : i32
          %dma_start3A_193 = tpu.memref_slice %arg3[%add3A, %add3A_188, %dma_start3A_192] : memref<32x79x128xi32, #tpu.memory_space<hbm>> -> memref<1x1x128xi32, #tpu.memory_space<hbm>>
          %dma_start3A_194 = tpu.memref_squeeze %dma_start3A_193 : memref<1x1x128xi32, #tpu.memory_space<hbm>> -> memref<128xi32, #tpu.memory_space<hbm>>
          tpu.enqueue_dma source(%dma_start3A_194 : memref<128xi32, #tpu.memory_space<hbm>>) target(%arg6 : memref<128xi32, #tpu.memory_space<vmem>>) target_semaphore(%arg12 : memref<!tpu.dma_semaphore, #tpu.memory_space<semaphore_mem>>)
          %mul3A_195 = arith.constant 10112 : i32
          %mul3A_196 = arith.muli %add3A, %mul3A_195 : i32
          %mul3A_197 = arith.constant 128 : i32
          %mul3A_198 = arith.muli %add3A_188, %mul3A_197 : i32
          %add3A_199 = arith.addi %mul3A_196, %mul3A_198 : i32
          %dma_start3A_200 = arith.constant 0 : i32
          %dma_start3A_201 = tpu.memref_slice %arg2[%add3A_199, %dma_start3A_200] : memref<323584x20xf32, #tpu.memory_space<hbm>> -> memref<128x20xf32, #tpu.memory_space<hbm>>
          %dma_start3A_202 = arith.constant 0 : i32
          %dma_start3A_203 = tpu.memref_slice %arg2[%add3A_199, %dma_start3A_202] : memref<323584x20xf32, #tpu.memory_space<hbm>> -> memref<128x20xf32, #tpu.memory_space<hbm>>
          tpu.enqueue_dma source(%dma_start3A_203 : memref<128x20xf32, #tpu.memory_space<hbm>>) target(%arg8 : memref<128x20xf32, #tpu.memory_space<vmem>>) target_semaphore(%arg12 : memref<!tpu.dma_semaphore, #tpu.memory_space<semaphore_mem>>)
        } else {
        }
      } else {
      }
    }
    %scan3A_97 = arith.constant 79 : i32
    %barrier3A_98 = arith.constant 0 : index
    tpu.barrier barrier_id(%barrier3A_98)
    %scan3A_99 = arith.constant 0 : i32
    %scan3A_100 = arith.constant 0 : i32
    %scan3A_101 = arith.constant 4 : i32
    %scan3A_102 = arith.addi %scan3A_100, %scan3A_101 : i32
    %scan3A_103 = arith.constant 1 : i32
    scf.for %scan3A_119 = %scan3A_100 to %scan3A_102 step %scan3A_103  : i32 {
      %mul3A_120 = arith.constant 632 : i32
      %mul3A_121 = arith.muli %arg1, %mul3A_120 : i32
      %mul3A_122 = arith.constant 128 : i32
      %mul3A_123 = arith.muli %scan3A_119, %mul3A_122 : i32
      %add3A_124 = arith.addi %mul3A_121, %mul3A_123 : i32
      "tpu.region"() ({
        %run_scoped3A = tpu.sem_alloc : memref<!tpu.dma_semaphore, #tpu.memory_space<semaphore_mem>>
        %dma_start3A_136 = arith.constant 0 : i32
        %dma_start3A_137 = tpu.memref_slice %arg10[%add3A_124, %dma_start3A_136] : memref<10112x128xf32, #tpu.memory_space<vmem_shared>> -> memref<128x128xf32, #tpu.memory_space<vmem_shared>>
        %dma_start3A_138 = arith.constant 0 : i32
        %dma_start3A_139 = tpu.memref_slice %arg10[%add3A_124, %dma_start3A_138] : memref<10112x128xf32, #tpu.memory_space<vmem_shared>> -> memref<128x128xf32, #tpu.memory_space<vmem_shared>>
        tpu.enqueue_dma source(%dma_start3A_139 : memref<128x128xf32, #tpu.memory_space<vmem_shared>>) target(%arg9 : memref<128x128xf32, #tpu.memory_space<vmem>>) target_semaphore(%run_scoped3A : memref<!tpu.dma_semaphore, #tpu.memory_space<semaphore_mem>>)
        %dma_wait3A = arith.constant 0 : i32
        %dma_wait3A_140 = tpu.memref_slice %arg10[%add3A_124, %dma_wait3A] : memref<10112x128xf32, #tpu.memory_space<vmem_shared>> -> memref<128x128xf32, #tpu.memory_space<vmem_shared>>
        %dma_wait3A_141 = arith.constant 0 : i32
        %dma_wait3A_142 = tpu.memref_slice %arg10[%add3A_124, %dma_wait3A_141] : memref<10112x128xf32, #tpu.memory_space<vmem_shared>> -> memref<128x128xf32, #tpu.memory_space<vmem_shared>>
        tpu.wait_dma2 semaphore(%run_scoped3A : memref<!tpu.dma_semaphore, #tpu.memory_space<semaphore_mem>>) src(%dma_wait3A_142 : memref<128x128xf32, #tpu.memory_space<vmem_shared>>) dst(%arg9 : memref<128x128xf32, #tpu.memory_space<vmem>>)
        tpu.yield
      }) : () -> ()
      %scan3A_125 = arith.constant 0 : i32
      %scan3A_126 = arith.constant 0 : i32
      %scan3A_127 = arith.constant 32 : i32
      %scan3A_128 = arith.addi %scan3A_126, %scan3A_127 : i32
      %scan3A_129 = arith.constant 1 : i32
      scf.for %scan3A_136 = %scan3A_126 to %scan3A_128 step %scan3A_129  : i32 {
        %mul3A_137 = arith.constant 4 : i32
        %mul3A_138 = arith.muli %scan3A_136, %mul3A_137 : i32
        %add3A_139 = arith.constant 0 : i32
        %add3A_140 = arith.addi %mul3A_138, %add3A_139 : i32
        %broadcast_in_dim3A_141 = vector.broadcast %add3A_140 : i32 to vector<16xi32>
        %gather3A = tpu.vector_load_idx %arg9[%broadcast_in_dim3A_141, %iota3A] : memref<128x128xf32, #tpu.memory_space<vmem>>[vector<16xi32>, vector<16xi32>], vector<16xf32>,
        tpu.vector_store_idx %arg7[%broadcast_in_dim3A_141, %iota3A], %gather3A : memref<128x20xf32, #tpu.memory_space<vmem>>[vector<16xi32>, vector<16xi32>], vector<16xf32>,
        %mul3A_142 = arith.constant 4 : i32
        %mul3A_143 = arith.muli %scan3A_136, %mul3A_142 : i32
        %add3A_144 = arith.constant 1 : i32
        %add3A_145 = arith.addi %mul3A_143, %add3A_144 : i32
        %broadcast_in_dim3A_146 = vector.broadcast %add3A_145 : i32 to vector<16xi32>
        %gather3A_147 = tpu.vector_load_idx %arg9[%broadcast_in_dim3A_146, %iota3A] : memref<128x128xf32, #tpu.memory_space<vmem>>[vector<16xi32>, vector<16xi32>], vector<16xf32>,
        tpu.vector_store_idx %arg7[%broadcast_in_dim3A_146, %iota3A], %gather3A_147 : memref<128x20xf32, #tpu.memory_space<vmem>>[vector<16xi32>, vector<16xi32>], vector<16xf32>,
        %mul3A_148 = arith.constant 4 : i32
        %mul3A_149 = arith.muli %scan3A_136, %mul3A_148 : i32
        %add3A_150 = arith.constant 2 : i32
        %add3A_151 = arith.addi %mul3A_149, %add3A_150 : i32
        %broadcast_in_dim3A_152 = vector.broadcast %add3A_151 : i32 to vector<16xi32>
        %gather3A_153 = tpu.vector_load_idx %arg9[%broadcast_in_dim3A_152, %iota3A] : memref<128x128xf32, #tpu.memory_space<vmem>>[vector<16xi32>, vector<16xi32>], vector<16xf32>,
        tpu.vector_store_idx %arg7[%broadcast_in_dim3A_152, %iota3A], %gather3A_153 : memref<128x20xf32, #tpu.memory_space<vmem>>[vector<16xi32>, vector<16xi32>], vector<16xf32>,
        %mul3A_154 = arith.constant 4 : i32
        %mul3A_155 = arith.muli %scan3A_136, %mul3A_154 : i32
        %add3A_156 = arith.constant 3 : i32
        %add3A_157 = arith.addi %mul3A_155, %add3A_156 : i32
        %broadcast_in_dim3A_158 = vector.broadcast %add3A_157 : i32 to vector<16xi32>
        %gather3A_159 = tpu.vector_load_idx %arg9[%broadcast_in_dim3A_158, %iota3A] : memref<128x128xf32, #tpu.memory_space<vmem>>[vector<16xi32>, vector<16xi32>], vector<16xf32>,
        tpu.vector_store_idx %arg7[%broadcast_in_dim3A_158, %iota3A], %gather3A_159 : memref<128x20xf32, #tpu.memory_space<vmem>>[vector<16xi32>, vector<16xi32>], vector<16xf32>,
        %mul3A_160 = arith.constant 4 : i32
        %mul3A_161 = arith.muli %scan3A_136, %mul3A_160 : i32
        %add3A_162 = vector.broadcast %mul3A_161 : i32 to vector<16xi32>
        %add3A_163 = arith.addi %add3A_162, %select_n3A : vector<16xi32>
        %gather3A_164 = tpu.vector_load_idx %arg9[%add3A_163, %add3A_47] : memref<128x128xf32, #tpu.memory_space<vmem>>[vector<16xi32>, vector<16xi32>], vector<16xf32>,
        %mul3A_165 = arith.constant 4 : i32
        %mul3A_166 = arith.muli %scan3A_136, %mul3A_165 : i32
        %add3A_167 = vector.broadcast %mul3A_166 : i32 to vector<16xi32>
        %add3A_168 = arith.addi %add3A_167, %select_n3A : vector<16xi32>
        tpu.vector_store_idx %arg7[%add3A_168, %add3A_47], %gather3A_164 : memref<128x20xf32, #tpu.memory_space<vmem>>[vector<16xi32>, vector<16xi32>], vector<16xf32>,
      }
      %scan3A_130 = arith.constant 32 : i32
      %mul3A_131 = arith.constant 632 : i32
      %mul3A_132 = arith.muli %arg1, %mul3A_131 : i32
      %mul3A_133 = arith.constant 128 : i32
      %mul3A_134 = arith.muli %scan3A_119, %mul3A_133 : i32
      %add3A_135 = arith.addi %mul3A_132, %mul3A_134 : i32
      "tpu.region"() ({
        %run_scoped3A = tpu.sem_alloc : memref<!tpu.dma_semaphore, #tpu.memory_space<semaphore_mem>>
        %dma_start3A_136 = arith.constant 0 : i32
        %dma_start3A_137 = tpu.memref_slice %arg4[%arg0, %add3A_135, %dma_start3A_136] : memref<2x10112x20xf32, #tpu.memory_space<hbm>> -> memref<1x128x20xf32, #tpu.memory_space<hbm>>
        %dma_start3A_138 = tpu.memref_squeeze %dma_start3A_137 : memref<1x128x20xf32, #tpu.memory_space<hbm>> -> memref<128x20xf32, #tpu.memory_space<hbm>>
        %dma_start3A_139 = arith.constant 0 : i32
        %dma_start3A_140 = tpu.memref_slice %arg4[%arg0, %add3A_135, %dma_start3A_139] : memref<2x10112x20xf32, #tpu.memory_space<hbm>> -> memref<1x128x20xf32, #tpu.memory_space<hbm>>
        %dma_start3A_141 = tpu.memref_squeeze %dma_start3A_140 : memref<1x128x20xf32, #tpu.memory_space<hbm>> -> memref<128x20xf32, #tpu.memory_space<hbm>>
        tpu.enqueue_dma source(%arg7 : memref<128x20xf32, #tpu.memory_space<vmem>>) target(%dma_start3A_141 : memref<128x20xf32, #tpu.memory_space<hbm>>) target_semaphore(%run_scoped3A : memref<!tpu.dma_semaphore, #tpu.memory_space<semaphore_mem>>)
        %dma_wait3A = arith.constant 0 : i32
        %dma_wait3A_142 = tpu.memref_slice %arg4[%arg0, %add3A_135, %dma_wait3A] : memref<2x10112x20xf32, #tpu.memory_space<hbm>> -> memref<1x128x20xf32, #tpu.memory_space<hbm>>
        %dma_wait3A_143 = tpu.memref_squeeze %dma_wait3A_142 : memref<1x128x20xf32, #tpu.memory_space<hbm>> -> memref<128x20xf32, #tpu.memory_space<hbm>>
        %dma_wait3A_144 = arith.constant 0 : i32
        %dma_wait3A_145 = tpu.memref_slice %arg4[%arg0, %add3A_135, %dma_wait3A_144] : memref<2x10112x20xf32, #tpu.memory_space<hbm>> -> memref<1x128x20xf32, #tpu.memory_space<hbm>>
        %dma_wait3A_146 = tpu.memref_squeeze %dma_wait3A_145 : memref<1x128x20xf32, #tpu.memory_space<hbm>> -> memref<128x20xf32, #tpu.memory_space<hbm>>
        tpu.wait_dma2 semaphore(%run_scoped3A : memref<!tpu.dma_semaphore, #tpu.memory_space<semaphore_mem>>) src(%arg7 : memref<128x20xf32, #tpu.memory_space<vmem>>) dst(%dma_wait3A_146 : memref<128x20xf32, #tpu.memory_space<hbm>>)
        tpu.yield
      }) : () -> ()
    }
    %scan3A_104 = arith.constant 4 : i32
    %mul3A_105 = arith.constant 632 : i32
    %mul3A_106 = arith.muli %arg1, %mul3A_105 : i32
    %add3A_107 = arith.constant 512 : i32
    %add3A_108 = arith.addi %mul3A_106, %add3A_107 : i32
    "tpu.region"() ({
      %run_scoped3A = tpu.sem_alloc : memref<!tpu.dma_semaphore, #tpu.memory_space<semaphore_mem>>
      %dma_start3A_119 = arith.constant 0 : i32
      %dma_start3A_120 = arith.constant 0 : i32
      %dma_start3A_121 = tpu.memref_slice %arg9[%dma_start3A_119, %dma_start3A_120] : memref<128x128xf32, #tpu.memory_space<vmem>> -> memref<120x128xf32, #tpu.memory_space<vmem>>
      %dma_start3A_122 = arith.constant 0 : i32
      %dma_start3A_123 = tpu.memref_slice %arg10[%add3A_108, %dma_start3A_122] : memref<10112x128xf32, #tpu.memory_space<vmem_shared>> -> memref<120x128xf32, #tpu.memory_space<vmem_shared>>
      %dma_start3A_124 = arith.constant 0 : i32
      %dma_start3A_125 = arith.constant 0 : i32
      %dma_start3A_126 = tpu.memref_slice %arg9[%dma_start3A_124, %dma_start3A_125] : memref<128x128xf32, #tpu.memory_space<vmem>> -> memref<120x128xf32, #tpu.memory_space<vmem>>
      %dma_start3A_127 = arith.constant 0 : i32
      %dma_start3A_128 = tpu.memref_slice %arg10[%add3A_108, %dma_start3A_127] : memref<10112x128xf32, #tpu.memory_space<vmem_shared>> -> memref<120x128xf32, #tpu.memory_space<vmem_shared>>
      tpu.enqueue_dma source(%dma_start3A_128 : memref<120x128xf32, #tpu.memory_space<vmem_shared>>) target(%dma_start3A_126 : memref<120x128xf32, #tpu.memory_space<vmem>>) target_semaphore(%run_scoped3A : memref<!tpu.dma_semaphore, #tpu.memory_space<semaphore_mem>>)
      %dma_wait3A = arith.constant 0 : i32
      %dma_wait3A_129 = arith.constant 0 : i32
      %dma_wait3A_130 = tpu.memref_slice %arg9[%dma_wait3A, %dma_wait3A_129] : memref<128x128xf32, #tpu.memory_space<vmem>> -> memref<120x128xf32, #tpu.memory_space<vmem>>
      %dma_wait3A_131 = arith.constant 0 : i32
      %dma_wait3A_132 = tpu.memref_slice %arg10[%add3A_108, %dma_wait3A_131] : memref<10112x128xf32, #tpu.memory_space<vmem_shared>> -> memref<120x128xf32, #tpu.memory_space<vmem_shared>>
      %dma_wait3A_133 = arith.constant 0 : i32
      %dma_wait3A_134 = arith.constant 0 : i32
      %dma_wait3A_135 = tpu.memref_slice %arg9[%dma_wait3A_133, %dma_wait3A_134] : memref<128x128xf32, #tpu.memory_space<vmem>> -> memref<120x128xf32, #tpu.memory_space<vmem>>
      %dma_wait3A_136 = arith.constant 0 : i32
      %dma_wait3A_137 = tpu.memref_slice %arg10[%add3A_108, %dma_wait3A_136] : memref<10112x128xf32, #tpu.memory_space<vmem_shared>> -> memref<120x128xf32, #tpu.memory_space<vmem_shared>>
      tpu.wait_dma2 semaphore(%run_scoped3A : memref<!tpu.dma_semaphore, #tpu.memory_space<semaphore_mem>>) src(%dma_wait3A_137 : memref<120x128xf32, #tpu.memory_space<vmem_shared>>) dst(%dma_wait3A_135 : memref<120x128xf32, #tpu.memory_space<vmem>>)
      tpu.yield
    }) : () -> ()
    %scan3A_109 = arith.constant 0 : i32
    %scan3A_110 = arith.constant 0 : i32
    %scan3A_111 = arith.constant 30 : i32
    %scan3A_112 = arith.addi %scan3A_110, %scan3A_111 : i32
    %scan3A_113 = arith.constant 1 : i32
    scf.for %scan3A_119 = %scan3A_110 to %scan3A_112 step %scan3A_113  : i32 {
      %mul3A_120 = arith.constant 4 : i32
      %mul3A_121 = arith.muli %scan3A_119, %mul3A_120 : i32
      %add3A_122 = arith.constant 0 : i32
      %add3A_123 = arith.addi %mul3A_121, %add3A_122 : i32
      %broadcast_in_dim3A_124 = vector.broadcast %add3A_123 : i32 to vector<16xi32>
      %gather3A = tpu.vector_load_idx %arg9[%broadcast_in_dim3A_124, %iota3A] : memref<128x128xf32, #tpu.memory_space<vmem>>[vector<16xi32>, vector<16xi32>], vector<16xf32>,
      tpu.vector_store_idx %arg7[%broadcast_in_dim3A_124, %iota3A], %gather3A : memref<128x20xf32, #tpu.memory_space<vmem>>[vector<16xi32>, vector<16xi32>], vector<16xf32>,
      %mul3A_125 = arith.constant 4 : i32
      %mul3A_126 = arith.muli %scan3A_119, %mul3A_125 : i32
      %add3A_127 = arith.constant 1 : i32
      %add3A_128 = arith.addi %mul3A_126, %add3A_127 : i32
      %broadcast_in_dim3A_129 = vector.broadcast %add3A_128 : i32 to vector<16xi32>
      %gather3A_130 = tpu.vector_load_idx %arg9[%broadcast_in_dim3A_129, %iota3A] : memref<128x128xf32, #tpu.memory_space<vmem>>[vector<16xi32>, vector<16xi32>], vector<16xf32>,
      tpu.vector_store_idx %arg7[%broadcast_in_dim3A_129, %iota3A], %gather3A_130 : memref<128x20xf32, #tpu.memory_space<vmem>>[vector<16xi32>, vector<16xi32>], vector<16xf32>,
      %mul3A_131 = arith.constant 4 : i32
      %mul3A_132 = arith.muli %scan3A_119, %mul3A_131 : i32
      %add3A_133 = arith.constant 2 : i32
      %add3A_134 = arith.addi %mul3A_132, %add3A_133 : i32
      %broadcast_in_dim3A_135 = vector.broadcast %add3A_134 : i32 to vector<16xi32>
      %gather3A_136 = tpu.vector_load_idx %arg9[%broadcast_in_dim3A_135, %iota3A] : memref<128x128xf32, #tpu.memory_space<vmem>>[vector<16xi32>, vector<16xi32>], vector<16xf32>,
      tpu.vector_store_idx %arg7[%broadcast_in_dim3A_135, %iota3A], %gather3A_136 : memref<128x20xf32, #tpu.memory_space<vmem>>[vector<16xi32>, vector<16xi32>], vector<16xf32>,
      %mul3A_137 = arith.constant 4 : i32
      %mul3A_138 = arith.muli %scan3A_119, %mul3A_137 : i32
      %add3A_139 = arith.constant 3 : i32
      %add3A_140 = arith.addi %mul3A_138, %add3A_139 : i32
      %broadcast_in_dim3A_141 = vector.broadcast %add3A_140 : i32 to vector<16xi32>
      %gather3A_142 = tpu.vector_load_idx %arg9[%broadcast_in_dim3A_141, %iota3A] : memref<128x128xf32, #tpu.memory_space<vmem>>[vector<16xi32>, vector<16xi32>], vector<16xf32>,
      tpu.vector_store_idx %arg7[%broadcast_in_dim3A_141, %iota3A], %gather3A_142 : memref<128x20xf32, #tpu.memory_space<vmem>>[vector<16xi32>, vector<16xi32>], vector<16xf32>,
      %mul3A_143 = arith.constant 4 : i32
      %mul3A_144 = arith.muli %scan3A_119, %mul3A_143 : i32
      %add3A_145 = vector.broadcast %mul3A_144 : i32 to vector<16xi32>
      %add3A_146 = arith.addi %add3A_145, %select_n3A : vector<16xi32>
      %gather3A_147 = tpu.vector_load_idx %arg9[%add3A_146, %add3A_47] : memref<128x128xf32, #tpu.memory_space<vmem>>[vector<16xi32>, vector<16xi32>], vector<16xf32>,
      %mul3A_148 = arith.constant 4 : i32
      %mul3A_149 = arith.muli %scan3A_119, %mul3A_148 : i32
      %add3A_150 = vector.broadcast %mul3A_149 : i32 to vector<16xi32>
      %add3A_151 = arith.addi %add3A_150, %select_n3A : vector<16xi32>
      tpu.vector_store_idx %arg7[%add3A_151, %add3A_47], %gather3A_147 : memref<128x20xf32, #tpu.memory_space<vmem>>[vector<16xi32>, vector<16xi32>], vector<16xf32>,
    }
    %scan3A_114 = arith.constant 30 : i32
    %mul3A_115 = arith.constant 632 : i32
    %mul3A_116 = arith.muli %arg1, %mul3A_115 : i32
    %add3A_117 = arith.constant 512 : i32
    %add3A_118 = arith.addi %mul3A_116, %add3A_117 : i32
    "tpu.region"() ({
      %run_scoped3A = tpu.sem_alloc : memref<!tpu.dma_semaphore, #tpu.memory_space<semaphore_mem>>
      %dma_start3A_119 = arith.constant 0 : i32
      %dma_start3A_120 = arith.constant 0 : i32
      %dma_start3A_121 = tpu.memref_slice %arg7[%dma_start3A_119, %dma_start3A_120] : memref<128x20xf32, #tpu.memory_space<vmem>> -> memref<120x20xf32, #tpu.memory_space<vmem>>
      %dma_start3A_122 = arith.constant 0 : i32
      %dma_start3A_123 = tpu.memref_slice %arg4[%arg0, %add3A_118, %dma_start3A_122] : memref<2x10112x20xf32, #tpu.memory_space<hbm>> -> memref<1x120x20xf32, #tpu.memory_space<hbm>>
      %dma_start3A_124 = tpu.memref_squeeze %dma_start3A_123 : memref<1x120x20xf32, #tpu.memory_space<hbm>> -> memref<120x20xf32, #tpu.memory_space<hbm>>
      %dma_start3A_125 = arith.constant 0 : i32
      %dma_start3A_126 = tpu.memref_slice %arg4[%arg0, %add3A_118, %dma_start3A_125] : memref<2x10112x20xf32, #tpu.memory_space<hbm>> -> memref<1x120x20xf32, #tpu.memory_space<hbm>>
      %dma_start3A_127 = tpu.memref_squeeze %dma_start3A_126 : memref<1x120x20xf32, #tpu.memory_space<hbm>> -> memref<120x20xf32, #tpu.memory_space<hbm>>
      %dma_start3A_128 = arith.constant 0 : i32
      %dma_start3A_129 = arith.constant 0 : i32
      %dma_start3A_130 = tpu.memref_slice %arg7[%dma_start3A_128, %dma_start3A_129] : memref<128x20xf32, #tpu.memory_space<vmem>> -> memref<120x20xf32, #tpu.memory_space<vmem>>
      tpu.enqueue_dma source(%dma_start3A_130 : memref<120x20xf32, #tpu.memory_space<vmem>>) target(%dma_start3A_127 : memref<120x20xf32, #tpu.memory_space<hbm>>) target_semaphore(%run_scoped3A : memref<!tpu.dma_semaphore, #tpu.memory_space<semaphore_mem>>)
      %dma_wait3A = arith.constant 0 : i32
      %dma_wait3A_131 = arith.constant 0 : i32
      %dma_wait3A_132 = tpu.memref_slice %arg7[%dma_wait3A, %dma_wait3A_131] : memref<128x20xf32, #tpu.memory_space<vmem>> -> memref<120x20xf32, #tpu.memory_space<vmem>>
      %dma_wait3A_133 = arith.constant 0 : i32
      %dma_wait3A_134 = tpu.memref_slice %arg4[%arg0, %add3A_118, %dma_wait3A_133] : memref<2x10112x20xf32, #tpu.memory_space<hbm>> -> memref<1x120x20xf32, #tpu.memory_space<hbm>>
      %dma_wait3A_135 = tpu.memref_squeeze %dma_wait3A_134 : memref<1x120x20xf32, #tpu.memory_space<hbm>> -> memref<120x20xf32, #tpu.memory_space<hbm>>
      %dma_wait3A_136 = arith.constant 0 : i32
      %dma_wait3A_137 = tpu.memref_slice %arg4[%arg0, %add3A_118, %dma_wait3A_136] : memref<2x10112x20xf32, #tpu.memory_space<hbm>> -> memref<1x120x20xf32, #tpu.memory_space<hbm>>
      %dma_wait3A_138 = tpu.memref_squeeze %dma_wait3A_137 : memref<1x120x20xf32, #tpu.memory_space<hbm>> -> memref<120x20xf32, #tpu.memory_space<hbm>>
      %dma_wait3A_139 = arith.constant 0 : i32
      %dma_wait3A_140 = arith.constant 0 : i32
      %dma_wait3A_141 = tpu.memref_slice %arg7[%dma_wait3A_139, %dma_wait3A_140] : memref<128x20xf32, #tpu.memory_space<vmem>> -> memref<120x20xf32, #tpu.memory_space<vmem>>
      tpu.wait_dma2 semaphore(%run_scoped3A : memref<!tpu.dma_semaphore, #tpu.memory_space<semaphore_mem>>) src(%dma_wait3A_141 : memref<120x20xf32, #tpu.memory_space<vmem>>) dst(%dma_wait3A_138 : memref<120x20xf32, #tpu.memory_space<hbm>>)
      tpu.yield
    }) : () -> ()
    return
  }
}

module attributes {stable_mosaic.version = 14 : i64} {
  func.func @_dense_body(%arg0: i32, %arg1: memref<4096x16xf32, #tpu.memory_space<vmem>>, %arg2: memref<4096x16xf32, #tpu.memory_space<vmem>>, %arg3: memref<16x200xf32, #tpu.memory_space<vmem>>, %arg4: memref<1x200xf32, #tpu.memory_space<vmem>>, %arg5: memref<16x200xf32, #tpu.memory_space<vmem>>, %arg6: memref<200x20xf32, #tpu.memory_space<vmem>>, %arg7: memref<4096x20xf32, #tpu.memory_space<vmem>>) attributes {dimension_semantics = [#tpu.dimension_semantics<arbitrary>], iteration_bounds = array<i64: 79>, scalar_prefetch = 0 : i64, scratch_operands = 0 : i64, tpu.core_type = #tpu.core_type<tc>, window_params = [{transform_indices = @transform_0, window_bounds = array<i64: 4096, 16>}, {transform_indices = @transform_1, window_bounds = array<i64: 4096, 16>}, {pipeline_mode = #tpu.pipeline_mode<synchronous>, transform_indices = @transform_2, window_bounds = array<i64: 16, 200>}, {pipeline_mode = #tpu.pipeline_mode<synchronous>, transform_indices = @transform_3, window_bounds = array<i64: 1, 200>}, {pipeline_mode = #tpu.pipeline_mode<synchronous>, transform_indices = @transform_4, window_bounds = array<i64: 16, 200>}, {pipeline_mode = #tpu.pipeline_mode<synchronous>, transform_indices = @transform_5, window_bounds = array<i64: 200, 20>}, {transform_indices = @transform_6, window_bounds = array<i64: 4096, 20>}]} {
    %get3A = arith.constant 0 : index
    %get3A_0 = arith.constant 0 : index
    %get3A_1 = vector.load %arg1[%get3A, %get3A_0] : memref<4096x16xf32, #tpu.memory_space<vmem>>, vector<4096x16xf32>
    %convert_element_type3A = arith.truncf %get3A_1 : vector<4096x16xf32> to vector<4096x16xbf16>
    %get3A_2 = arith.constant 0 : index
    %get3A_3 = arith.constant 0 : index
    %get3A_4 = vector.load %arg3[%get3A_2, %get3A_3] : memref<16x200xf32, #tpu.memory_space<vmem>>, vector<16x200xf32>
    %convert_element_type3A_5 = arith.truncf %get3A_4 : vector<16x200xf32> to vector<16x200xbf16>
    %dot_general3A = arith.constant dense<0.000000e+00> : vector<4096x200xf32>
    %dot_general3A_6 = tpu.matmul %convert_element_type3A, %convert_element_type3A_5, %dot_general3A {dimension_numbers = #tpu.dot_dimension_numbers<[1], [0], [0], [1], [0, 0, 1, 1], [], []>, transpose_lhs_hint = false} : vector<4096x16xbf16>, vector<16x200xbf16>, vector<4096x200xf32> -> vector<4096x200xf32>
    %get3A_7 = arith.constant 0 : index
    %get3A_8 = arith.constant 0 : index
    %get3A_9 = vector.load %arg4[%get3A_7, %get3A_8] : memref<1x200xf32, #tpu.memory_space<vmem>>, vector<1x200xf32>
    %add3A = vector.broadcast %get3A_9 : vector<1x200xf32> to vector<4096x200xf32>
    %add3A_10 = arith.addf %dot_general3A_6, %add3A : vector<4096x200xf32>
    %get3A_11 = arith.constant 0 : index
    %get3A_12 = arith.constant 0 : index
    %get3A_13 = vector.load %arg2[%get3A_11, %get3A_12] : memref<4096x16xf32, #tpu.memory_space<vmem>>, vector<4096x16xf32>
    %convert_element_type3A_14 = arith.truncf %get3A_13 : vector<4096x16xf32> to vector<4096x16xbf16>
    %get3A_15 = arith.constant 0 : index
    %get3A_16 = arith.constant 0 : index
    %get3A_17 = vector.load %arg5[%get3A_15, %get3A_16] : memref<16x200xf32, #tpu.memory_space<vmem>>, vector<16x200xf32>
    %convert_element_type3A_18 = arith.truncf %get3A_17 : vector<16x200xf32> to vector<16x200xbf16>
    %dot_general3A_19 = arith.constant dense<0.000000e+00> : vector<4096x200xf32>
    %dot_general3A_20 = tpu.matmul %convert_element_type3A_14, %convert_element_type3A_18, %dot_general3A_19 {dimension_numbers = #tpu.dot_dimension_numbers<[1], [0], [0], [1], [0, 0, 1, 1], [], []>, transpose_lhs_hint = false} : vector<4096x16xbf16>, vector<16x200xbf16>, vector<4096x200xf32> -> vector<4096x200xf32>
    %mul3A = arith.mulf %add3A_10, %dot_general3A_20 : vector<4096x200xf32>
    %convert_element_type3A_21 = arith.truncf %mul3A : vector<4096x200xf32> to vector<4096x200xbf16>
    %get3A_22 = arith.constant 0 : index
    %get3A_23 = arith.constant 0 : index
    %get3A_24 = vector.load %arg6[%get3A_22, %get3A_23] : memref<200x20xf32, #tpu.memory_space<vmem>>, vector<200x20xf32>
    %convert_element_type3A_25 = arith.truncf %get3A_24 : vector<200x20xf32> to vector<200x20xbf16>
    %dot_general3A_26 = arith.constant dense<0.000000e+00> : vector<4096x20xf32>
    %dot_general3A_27 = tpu.matmul %convert_element_type3A_21, %convert_element_type3A_25, %dot_general3A_26 {dimension_numbers = #tpu.dot_dimension_numbers<[1], [0], [0], [1], [0, 0, 1, 1], [], []>, transpose_lhs_hint = false} : vector<4096x200xbf16>, vector<200x20xbf16>, vector<4096x20xf32> -> vector<4096x20xf32>
    %swap3A = arith.constant 0 : index
    %swap3A_28 = arith.constant 0 : index
    %swap3A_29 = vector.load %arg7[%swap3A, %swap3A_28] : memref<4096x20xf32, #tpu.memory_space<vmem>>, vector<4096x20xf32>
    tpu.vector_store %arg7[%swap3A, %swap3A_28], %dot_general3A_27 {strides = array<i32>} : memref<4096x20xf32, #tpu.memory_space<vmem>>, vector<4096x20xf32>,
    return
  }
  func.func @transform_0(%arg0: i32) -> (i32, i32) {
    %c0_i32 = arith.constant 0 : i32
    %c0_i32_0 = arith.constant 0 : i32
    return %arg0, %c0_i32 : i32, i32
  }
  func.func @transform_1(%arg0: i32) -> (i32, i32) {
    %c0_i32 = arith.constant 0 : i32
    %c0_i32_0 = arith.constant 0 : i32
    return %arg0, %c0_i32 : i32, i32
  }
  func.func @transform_2(%arg0: i32) -> (i32, i32) {
    %c0_i32 = arith.constant 0 : i32
    %c0_i32_0 = arith.constant 0 : i32
    %c0_i32_1 = arith.constant 0 : i32
    return %c0_i32, %c0_i32_0 : i32, i32
  }
  func.func @transform_3(%arg0: i32) -> (i32, i32) {
    %c0_i32 = arith.constant 0 : i32
    %c0_i32_0 = arith.constant 0 : i32
    %c0_i32_1 = arith.constant 0 : i32
    return %c0_i32, %c0_i32_0 : i32, i32
  }
  func.func @transform_4(%arg0: i32) -> (i32, i32) {
    %c0_i32 = arith.constant 0 : i32
    %c0_i32_0 = arith.constant 0 : i32
    %c0_i32_1 = arith.constant 0 : i32
    return %c0_i32, %c0_i32_0 : i32, i32
  }
  func.func @transform_5(%arg0: i32) -> (i32, i32) {
    %c0_i32 = arith.constant 0 : i32
    %c0_i32_0 = arith.constant 0 : i32
    %c0_i32_1 = arith.constant 0 : i32
    return %c0_i32, %c0_i32_0 : i32, i32
  }
  func.func @transform_6(%arg0: i32) -> (i32, i32) {
    %c0_i32 = arith.constant 0 : i32
    %c0_i32_0 = arith.constant 0 : i32
    return %arg0, %c0_i32 : i32, i32
  }
}

module attributes {stable_mosaic.version = 14 : i64} {
  func.func @_combine_body(%arg0: i32, %arg1: memref<2x2000x20xf32, #tpu.memory_space<vmem>>, %arg2: memref<2000x20xf32, #tpu.memory_space<vmem>>) attributes {dimension_semantics = [#tpu.dimension_semantics<arbitrary>], iteration_bounds = array<i64: 5>, scalar_prefetch = 0 : i64, scratch_operands = 0 : i64, tpu.core_type = #tpu.core_type<tc>, window_params = [{transform_indices = @transform_0, window_bounds = array<i64: 2, 2000, 20>}, {transform_indices = @transform_1, window_bounds = array<i64: 2000, 20>}]} {
    %get3A = arith.constant 0 : index
    %get3A_0 = arith.constant 0 : index
    %get3A_1 = arith.constant 0 : index
    %get3A_2 = vector.load %arg1[%get3A, %get3A_0, %get3A_1] : memref<2x2000x20xf32, #tpu.memory_space<vmem>>, vector<1x2000x20xf32>
    %get3A_3 = vector.shape_cast %get3A_2 : vector<1x2000x20xf32> to vector<2000x20xf32>
    %get3A_4 = arith.constant 1 : index
    %get3A_5 = arith.constant 0 : index
    %get3A_6 = arith.constant 0 : index
    %get3A_7 = vector.load %arg1[%get3A_4, %get3A_5, %get3A_6] : memref<2x2000x20xf32, #tpu.memory_space<vmem>>, vector<1x2000x20xf32>
    %get3A_8 = vector.shape_cast %get3A_7 : vector<1x2000x20xf32> to vector<2000x20xf32>
    %add3A = arith.addf %get3A_3, %get3A_8 : vector<2000x20xf32>
    %swap3A = arith.constant 0 : index
    %swap3A_9 = arith.constant 0 : index
    %swap3A_10 = vector.load %arg2[%swap3A, %swap3A_9] : memref<2000x20xf32, #tpu.memory_space<vmem>>, vector<2000x20xf32>
    tpu.vector_store %arg2[%swap3A, %swap3A_9], %add3A {strides = array<i32>} : memref<2000x20xf32, #tpu.memory_space<vmem>>, vector<2000x20xf32>,
    return
  }
  func.func @transform_0(%arg0: i32) -> (i32, i32, i32) {
    %c0_i32 = arith.constant 0 : i32
    %c0_i32_0 = arith.constant 0 : i32
    %c0_i32_1 = arith.constant 0 : i32
    return %c0_i32, %arg0, %c0_i32_0 : i32, i32, i32
  }
  func.func @transform_1(%arg0: i32) -> (i32, i32) {
    %c0_i32 = arith.constant 0 : i32
    %c0_i32_0 = arith.constant 0 : i32
    return %arg0, %c0_i32 : i32, i32
  }
}

</mosaic_0001>

<sc_bundles>
// kernel: kernel.6.cloned.1.call-start
scs
__scs_entry_jumppad:
0x0: {  	(pc) =	sbr.rel $0x88, $3  }
0x1: {  	(tag) =	ssettag $0x0;
	lr =	simm.s32 $0x1  }
0x2: {  	[smem:$0x3F9C] =	sst lr;
	_ =	strace $0xD0000000  }
0x3: {  	_ = 	snop  }
0x4: {  	_ = 	snop  }
0x5: {  	_ = 	snop  }
0x6: {  	_ = 	snop  }
0x7: {  	_ = 	snop  }
__scs_overlays_trampoline_lowered:
0x8: {  	[smem:$0x3FAB] =	sst s0  }
0x9: {  	[smem:$0x3FAC] =	sst s1  }
0xa: {  	[smem:$0x3FAD] =	sst s2  }
0xb: {  	[smem:$0x3FAE] =	sst s3  }
0xc: {  	[smem:$0x3FAF] =	sst s4  }
0xd: {  	[smem:$0x3FB0] =	sst s5  }
0xe: {  	[smem:$0x3FB1] =	sst s6  }
0xf: {  	[smem:$0x3FB2] =	sst s7  }
0x10: {  	[smem:$0x3FB3] =	sst s8  }
0x11: {  	[smem:$0x3FB4] =	sst s9;
	s0 =	simm.s32 @!p0 $0x0  }
0x12: {  	s1 =	sld [smem:$0x3F9A];
	s0 =	simm.s32 @p0 $0x1  }
0x13: {  	[smem:$0x3FB5] =	sst s0;
	s0 =	simm.s32 @!p1 $0x0  }
0x14: {  	s2 =	sld [smem:$0x3F99];
	s0 =	simm.s32 @p1 $0x1  }
0x15: {  	[smem:$0x3FB6] =	sst s0;
	s0 =	simm.s32 @!p2 $0x0  }
0x16: {  	s3 =	sld [smem:$0x3FDB];
	s0 =	simm.s32 @p2 $0x1  }
0x17: {  	s4 =	simm.s32 $0x1BF5;
	[smem:$0x3FB8] =	sst s0  }
0x18: {  	s0 =	sld [smem:$0x3F9B];
	_ =	swait.ge [sflag:s4], $0x0  }
0x19: {  	s7 =	sld [smem:$0x3F9C]  }
0x1a: {  	s8 =	sadd.s32 $0xFFFFE003, lr  }
0x1b: {  	s9 =	sadd.s32 $0xFFFFFEF7, lr;
	s5 =	simm.s32 $0xFFFFFFFF;
	p2 =	slt.u32 s8, $0xFFFFF086  }
0x1c: {  	p1 =	slt.u32 s9, $0xF7A;
	s5 =	simm.s32 @!p2 $0x0  }
0x1d: {  	s5 =	simm.s32 @p1 $0x1;
	p0 =	seq.s32 s7, s2  }
0x1e: {  	s7 =	smul.u32 @!p0 $0xF7A, s2;
	p2 =	seq.s32 @!p0 s5, $0x0  }
0x1f: {  	s9 =	smul.u32 $0xF7A, s1;
	s8 =	simm.s32 @!p0 $0x1BF5;
	p2 =	por !p2, p0  }
0x20: {  	[sflag:s8] =	ssyncset.s32 @!p0 $0xFFFFF086;
	s6 =	sadd.s32 @!p0 s3, s7;
	s7 =	simm.s32 @!p0 $0x108  }
0x21: {  	s3 =	sadd.s32 s3, s9;
	s6 =	sadd.s32 @!p0 $0x88, s6;
	s7 =	simm.s32 @p2 $0x1082  }
0x22: {  	[simem:s7], [sflag:s8] =	dma.local @!p0 [hbm:s6], $0xF7A  }
0x23: {  	s9 =	sor.u32 $0xD0000000, s2;
	s6 =	simm.s32 $0x108;
	_ =	swait.ge @!p0 [sflag:s8], $0x0  }
0x24: {  	s3 =	sadd.s32 $0x88, s3;
	s6 =	simm.s32 @!p1 $0x1082;
	[sflag:s4] =	ssyncset.s32 $0xFFFFF086  }
0x25: {  	[simem:s6], [sflag:s4] =	dma.local [hbm:s3], $0xF7A  }
0x26: {  	[smem:$0x3F9C] =	sst s1;
	(tag) =	ssettag s2;
	_ =	strace s9  }
0x27: {  	s1 =	sld [smem:$0x3FAC]  }
0x28: {  	s2 =	sld [smem:$0x3FAD]  }
0x29: {  	s4 =	sld [smem:$0x3FAF]  }
0x2a: {  	p0 =	seq.s32 s5, $0x0;
	s5 =	sld [smem:$0x3FB0]  }
0x2b: {  	s6 =	sld [smem:$0x3FB1]  }
0x2c: {  	s7 =	sld [smem:$0x3FB2]  }
0x2d: {  	s3 =	simm.s32 $0x108;
	s8 =	sld [smem:$0x3FB3]  }
0x2e: {  	s3 =	simm.s32 @!p0 $0x1082;
	s9 =	sld [smem:$0x3FB4]  }
0x2f: {  	lr =	sadd.s32 s0, s3;
	s0 =	sld [smem:$0x3FAB]  }
0x30: {  	s3 =	sld [smem:$0x3FAE]  }
0x31: {  	[smem:$0x3FB7] =	sst s10  }
0x32: {  	s10 =	sld [smem:$0x3FB5];
	_ =	sdelay $0x3  }
0x33: {  	p0 =	seq.s32 s10, $0x1;
	s10 =	sld [smem:$0x3FB7];
	_ =	sdelay $0x3  }
0x34: {  	[smem:$0x3FB7] =	sst s10  }
0x35: {  	s10 =	sld [smem:$0x3FB6];
	_ =	sdelay $0x3  }
0x36: {  	p1 =	seq.s32 s10, $0x1;
	s10 =	sld [smem:$0x3FB7];
	_ =	sdelay $0x3  }
0x37: {  	[smem:$0x3FB7] =	sst s10  }
0x38: {  	s10 =	sld [smem:$0x3FB8]  }
0x39: {  	_ = 	snop;
	(pc) =	sbr.ind lr, $3  }
0x3a: {  	_ = 	snop  }
0x3b: {  	_ = 	snop  }
0x3c: {  	p2 =	seq.s32 s10, $0x1;
	s10 =	sld [smem:$0x3FB7]  }
0x3d: {  	_ =	shalt  }
0x3e: {  	_ =	shalt  }
0x3f: {  	_ =	shalt  }
0x40: {  	_ =	shalt  }
0x41: {  	_ =	shalt  }
0x42: {  	_ =	shalt  }
0x43: {  	_ =	shalt  }
0x44: {  	_ =	shalt  }
0x45: {  	_ =	shalt  }
0x46: {  	_ =	shalt  }
0x47: {  	_ =	shalt  }
0x48: {  	_ =	shalt  }
0x49: {  	_ =	shalt  }
0x4a: {  	_ =	shalt  }
0x4b: {  	_ =	shalt  }
0x4c: {  	_ =	shalt  }
0x4d: {  	_ =	shalt  }
0x4e: {  	_ =	shalt  }
0x4f: {  	_ =	shalt  }
0x50: {  	_ =	shalt  }
0x51: {  	_ =	shalt  }
0x52: {  	_ =	shalt  }
0x53: {  	_ =	shalt  }
0x54: {  	_ =	shalt  }
0x55: {  	_ =	shalt  }
0x56: {  	_ =	shalt  }
0x57: {  	_ =	shalt  }
0x58: {  	_ =	shalt  }
0x59: {  	_ =	shalt  }
0x5a: {  	_ =	shalt  }
0x5b: {  	_ =	shalt  }
0x5c: {  	_ =	shalt  }
0x5d: {  	_ =	shalt  }
0x5e: {  	_ =	shalt  }
0x5f: {  	_ =	shalt  }
0x60: {  	_ =	shalt  }
0x61: {  	_ =	shalt  }
0x62: {  	_ =	shalt  }
0x63: {  	_ =	shalt  }
0x64: {  	_ =	shalt  }
0x65: {  	_ =	shalt  }
0x66: {  	_ =	shalt  }
0x67: {  	_ =	shalt  }
0x68: {  	_ =	shalt  }
0x69: {  	_ =	shalt  }
0x6a: {  	_ =	shalt  }
0x6b: {  	_ =	shalt  }
0x6c: {  	_ =	shalt  }
0x6d: {  	_ =	shalt  }
0x6e: {  	_ =	shalt  }
0x6f: {  	_ =	shalt  }
0x70: {  	_ =	shalt  }
0x71: {  	_ =	shalt  }
0x72: {  	_ =	shalt  }
0x73: {  	_ =	shalt  }
0x74: {  	_ =	shalt  }
0x75: {  	_ =	shalt  }
0x76: {  	_ =	shalt  }
0x77: {  	_ =	shalt  }
0x78: {  	_ =	shalt  }
0x79: {  	_ =	shalt  }
0x7a: {  	_ =	shalt  }
0x7b: {  	_ =	shalt  }
0x7c: {  	_ =	shalt  }
0x7d: {  	_ =	shalt  }
0x7e: {  	_ =	shalt  }
0x7f: {  	_ =	shalt  }
0x80: {  	_ =	shalt  }
0x81: {  	_ =	shalt  }
0x82: {  	_ =	shalt  }
0x83: {  	_ =	shalt  }
0x84: {  	_ =	shalt  }
0x85: {  	_ =	shalt  }
0x86: {  	_ =	shalt  }
0x87: {  	_ =	shalt  }
.Lfunc_end0:
.L_simem_size_0:
called_computation_lowered:
.L_overlay_start_0:
0x88: {  	s2 =	sld [smem:$0x3FD9]  }
0x89: {  	s3 =	sld [smem:$0x3FFE];
	_ =	sdelay $0x1  }
0x8a: {  	s1 =	srdreg.scid  }
0x8b: {  	s0 =	sand.u32 $0x1, s1  }
0x8c: {  	s17 =	sshll.u32 s0, $0xA;
	s2 =	sadd.s32 s3, s2  }
0x8d: {  	s2 =	sadd.s32 s2, s17  }
0x8e: {  	[smem:$0x3FC3] =	sst s2  }
0x8f: {  	_ = 	snop  }
0x90: {  	s2 =	sld [smem:$0x3FD0];
	(tm) =	ssettm $0x1  }
0x91: {  	s18 =	sld [smem:$0x3FFB];
	_ =	sdelay $0x3  }
0x92: {  	_ =	strace s18  }
0x93: {  	s3 =	sld [smem:$0x3FFC];
	_ =	sdelay $0x3  }
0x94: {  	_ =	strace s3  }
0x95: {  	s3 =	sld [smem:$0x3FFD];
	_ =	sdelay $0x3  }
0x96: {  	_ =	strace s3  }
0x97: {  	_ =	strace $0x8FFFFFFF  }
0x98: {  	s19 =	sld [smem:$0x3FDB];
	_ =	sdelay $0x1  }
0x99: {  	s4 =	simm.s32 $_scs_section_size  }
0x9a: {  	s5 =	simm.s32 $_size__tile_overlayer_lowered;
	s6 =	simm.s32 $_tile_overlayer_lowered  }
0x9b: {  	s22 =	simm.s32 $0x1BFF;
	s21 =	sshll.u32 s6, $0x1;
	s3 =	sadd.s32 s4, s19  }
0x9c: {  	s7 =	simm.s32 $0x0;
	s20 =	sshll.u32 s5, $0x1;
	s5 =	sadd.s32 s21, s3  }
0x9d: {  	[timem:s7], [sflag:s22] =	dma.local [hbm:s5], s20  }
0x9e: {  	_ =	swait.ge [sflag:s22], s20  }
0x9f: {  	s4 =	ssub.s32 $0x0, s20;
	[sflag:s22] =	ssyncset.done $0x0  }
0xa0: {  	[sflag:s22] =	ssyncadd.s32 s4;
	_ =	sdelay $0x1  }
0xa1: {  	s23 =	simm.s32 $0x1B8B  }
0xa2: {  	_ =	swait.ge [sflag:s23], $0x1  }
0xa3: {  	[sflag:s23] =	ssyncset.done $0x0  }
0xa4: {  	s25 =	simm.s32 $0x1B8E;
	s24 =	sld [smem:$0x3FFE];
	[sflag:s23] =	ssyncadd.s32 $0xFFFFFFFF  }
0xa5: {  	s26 =	simm.s32 $execute0_lowered;
	[smem:$0x3FD2] =	sst s25  }
0xa6: {  	s5 =	sshll.u32 s26, $0x1;
	_ =	strace $0x80000046;
	[dreg:$0x1] =	wrdreg $0xFFFFFFFF  }
0xa7: {  	s28 =	simm.s32 $_size_execute0_lowered;
	s3 =	sadd.s32 s3, s5;
	[dreg:$0x0] =	wrdreg $0x0  }
0xa8: {  	s5 =	sshll.u32 s28, $0x1;
	[dreg:$0x2] =	wrdreg s3  }
0xa9: {  	[dreg:$0x3] =	wrdreg s5  }
0xaa: {  	[dreg:$0x4] =	wrdreg $0xC0  }
0xab: {  	_ =	task [dreg:s7], $0x5FFFF  }
0xac: {  	[dreg:$0x1] =	wrdreg $0xFFFFFFFF  }
0xad: {  	[dreg:$0x0] =	wrdreg $0x60  }
0xae: {  	[dreg:$0x2] =	wrdreg s2  }
0xaf: {  	[dreg:$0x3] =	wrdreg s24  }
0xb0: {  	[dreg:$0x4] =	wrdreg $0x9  }
0xb1: {  	_ =	task.clear_ibuf [dreg:s7], $0x5FFFF;
	_ =	strace $0x90000046  }
0xb2: {  	s29 =	simm.s32 $0x9;
	_ =	strace $0x80000048  }
0xb3: {  	_ =	swait.ge [sflag:s29], $0x1  }
0xb4: {  	[sflag:s29] =	ssyncadd.s32 $0xFFFFFFFF  }
0xb5: {  	_ =	strace $0x90000048  }
0xb6: {  	_ =	sfence  }
0xb7: {  	s30 =	sld [smem:$0x0];
	_ =	sdelay $0x2  }
0xb8: {  	s31 =	sshll.u32 s1, $0xD;
	s1 =	sshrl.u32 s1, $0x2  }
0xb9: {  	s3 =	sand.u32 $0x4000, s31;
	s1 =	sadd.s32 s1, s30  }
0xba: {  	s0 =	sor.u32 s3, s0;
	s1 =	sshll.u32 s1, $0x11  }
0xbb: {  	s0 =	sor.u32 s1, s0  }
0xbc: {  	s0 =	sadd.s32 $0x8F2B, s0  }
0xbd: {  	[sflag:s0] =	ssyncadd.remote.s32 $0x1  }
0xbe: {  	_ =	sfence.sel $0xFFFF  }
0xbf: {  	[dreg:$0x0] =	wrdreg $0xFFFFFFFF;
	(pc) =	sbr.abs _section_cstart, $3  }
0xc0: {  	[dreg:$0x1] =	wrdreg $0xFFFFFFFF  }
0xc1: {  	_ =	task.clear_ibuf [dreg:s7], $0x2FFFF;
	_ =	strace $0x9FFFFFFF  }
0xc2: {  	(tm) =	ssettm $0x7FFFFFFF  }
0xc3: {  	_ =	shalt  }
tec
execute0_lowered:
.L_overlay_start_1:
0x0: {  	(tag) =	ssettag $0x1  }
0x1: {  	s2 =	rddreg [dreg:$0x0];
	s1 =	srdreg.scid  }
0x2: {  	s0 =	stileid.u32;
	s6 =	rddreg [dreg:$0x1]  }
0x3: {  	s3 =	simm.s32 $0x0;
	s11 =	simm.s32 $0x4;
	s12 =	simm.s32 $0x18700  }
0x4: {  	s13 =	simm.s32 $0x18780;
	s7 =	sand.u32 $0x1, s1;
	s4 =	sshll.u32 s0, $0x1  }
0x5: {  	s14 =	simm.s32 $0x2;
	s15 =	simm.s32 $0x3;
	s9 =	sor.u32 s7, s4  }
0x6: {  	s16 =	simm.s32 $0x18800;
	s17 =	simm.s32 $0x1;
	s4 =	smul.u32 $0x2800, s9  }
.Ltmp0:
0x7: {  	s18 =	simm.s32 $0x0;
	s1 =	rddreg [dreg:$0x2];
	(pc) =	sbr.rel .LBB2_1-.Ltmp0, $4  }
0x8: {  	[smem:$0x7FF] =	sst s3;
	s5 =	sadd.s32 $0xA200, s6;
	s8 =	ssub.s32 $0x2, s7  }
0x9: {  	s6 =	sadd.s32 $0x14200, s6;
	s10 =	sshrl.u32 s8, $0x1;
	s31 =	sshrl.u32 s4, $0x3  }
0xa: {  	v1 =	vlaneseq.u32;
	_ =	strace $0x80000047;
	s10 =	ssub.s32 s8, s10;
	s7 =	sadd.s32 s5, s31  }
0xb: {  	v0 =	vimm.f32 $0.0e+00;
	v1 =	vmul.u32 $0x80, v1;
	s9 =	smul.u32 $0x13C000, s9;
	s10 =	smax.u32 s10, $0x1;
	s8 =	sadd.s32 $0x10, s7  }
.LBB2_12:
0xc: {  	s18 =	sadd.s32 $0x1, s18  }
0xd: {  	p0 =	sne.s32 s18, s10  }
.Ltmp1:
0xe: {  	_ = 	snop;
	(pc) =	sbr.rel @!p0 .LBB2_13-.Ltmp1, $4  }
0xf: {  	_ = 	snop  }
0x10: {  	_ =	swait.ge [sflag:s15], $0x4000  }
0x11: {  	[sflag:s15] =	ssyncset.done $0x0  }
0x12: {  	[sflag:s15] =	ssyncadd.s32 $0xFFFFC000  }
.LBB2_1:
0x13: {  	[tilespmem:s3], [sflag:$0x4] =	stream.linear.gather [hbm4b:s2+s3], $0x18700, $0x38;
	[tilespmem:$0x1C800] =	vst v63  }
0x14: {  	_ =	swait.ge [sflag:s11], $0x18700  }
0x15: {  	[sflag:s11] =	ssyncset.done $0x0  }
0x16: {  	s19 =	simm.s32 $0x200;
	s20 =	simm.s32 $0x0;
	[sflag:s11] =	ssyncadd.s32 $0xFFFE7900  }
.LBB2_2:
0x17: {  	p0 =	sne.s32 s19, $0xFE00;
	[tilespmem:s20+$0x18800] =	vst v0;
	s20 =	smov.u32 s19;
	s19 =	sadd.s32 $0x200, s19  }
.Ltmp2:
0x18: {  	(pc) =	sbr.rel @p0 .LBB2_2-.Ltmp2, $2  }
0x19: {  	_ =	sdelay $0x2  }
0x1a: {  	s20 =	sshra.s32 s20, $0x2  }
.Ltmp3:
0x1b: {  	(pc) =	sbr.rel .LBB2_4-.Ltmp3, $4  }
0x1c: {  	[tilespmem:s20+$0x18800] =	vst v0;
	s19 =	simm.s32 $0x0  }
0x1d: {  	[tilespmem:s12], [sflag:$0x1] =	stream.linear.gather [hbm4b:s7+s19], $0x80, $0x38;
	[tilespmem:$0x1C800] =	vst v63  }
0x1e: {  	_ = 	snop  }
0x1f: {  	[tilespmem:s13], [sflag:$0x2] =	stream.linear.gather [hbm4b:s8+s19], $0x80, $0x38;
	[tilespmem:$0x1C800] =	vst v63  }
.LBB2_11:
0x20: {  	s19 =	sadd.s32 $0x1, s19  }
0x21: {  	p0 =	sne.s32 s19, $0x4F  }
.Ltmp4:
0x22: {  	_ = 	snop;
	(pc) =	sbr.rel @!p0 .LBB2_12-.Ltmp4, $1  }
0x23: {  	_ =	sdelay $0x3  }
.LBB2_4:
0x24: {  	s20 =	sand.u32 $0x1, s19  }
0x25: {  	p0 =	seq.s32 s20, $0x1  }
.Ltmp5:
0x26: {  	_ = 	snop;
	(pc) =	sbr.rel @p0 .LBB2_8-.Ltmp5, $1  }
0x27: {  	_ =	sdelay $0x3  }
0x28: {  	_ =	swait.ge [sflag:s17], $0x80  }
0x29: {  	p0 =	seq.s32 s19, $0x0;
	[sflag:s17] =	ssyncset.done $0x0  }
0x2a: {  	s21 =	simm.s32 @!p0 $0x3;
	[sflag:s17] =	ssyncadd.s32 $0xFFFFFF80  }
0x2b: {  	_ =	swait.ge @!p0 [sflag:s21], $0x4000  }
0x2c: {  	[sflag:s21] =	ssyncset.done @!p0 $0x0  }
0x2d: {  	[sflag:s21] =	ssyncadd.s32 @!p0 $0xFFFFC000;
	s21 =	simm.s32 $0x18700  }
0x2e: {  	v2 =	vld [tilespmem:s21+$0x0];
	_ =	sdelay $0x4  }
0x2f: {  	v2 =	vmul.u32 $0xA, v2;
	_ =	sdelay $0x2  }
0x30: {  	s22 =	simm.s32 $0x0  }
0x31: {  	v3 =	vmov s22  }
0x32: {  	v3 =	vshll.u32 v3, $0x7  }
0x33: {  	v3 =	vor.u32 v1, v3;
	v4 =	vld.idx.msk [tilespmem:v2+s3+$0x0], $0xffff  }
0x34: {  	v5 =	vor.u32 $0x1, v2;
	_ =	sdelay $0x3  }
0x35: {  	[tilespmem:v3+s16+$0x0] =	vst.idx.msk $0xffff, v4  }
0x36: {  	v4 =	vld.idx.msk [tilespmem:v5+s3+$0x0], $0xffff;
	v5 =	vor.u32 $0x1, v3  }
0x37: {  	v6 =	vadd.s32 $0x2, v2;
	_ =	sdelay $0x3  }
0x38: {  	[tilespmem:v5+s16+$0x0] =	vst.idx.msk $0xffff, v4  }
0x39: {  	v5 =	vor.u32 $0x2, v3;
	v4 =	vld.idx.msk [tilespmem:v6+s3+$0x0], $0xffff  }
0x3a: {  	v58 =	vadd.s32 $0x3, v2;
	_ =	sdelay $0x3  }
0x3b: {  	[tilespmem:v5+s16+$0x0] =	vst.idx.msk $0xffff, v4  }
0x3c: {  	v5 =	vor.u32 $0x3, v3;
	v4 =	vld.idx.msk [tilespmem:v58+s3+$0x0], $0xffff  }
0x3d: {  	v59 =	vadd.s32 $0x4, v2;
	_ =	sdelay $0x3  }
0x3e: {  	[tilespmem:v5+s16+$0x0] =	vst.idx.msk $0xffff, v4  }
0x3f: {  	v5 =	vor.u32 $0x4, v3;
	v4 =	vld.idx.msk [tilespmem:v59+s3+$0x0], $0xffff  }
0x40: {  	v60 =	vadd.s32 $0x5, v2;
	_ =	sdelay $0x3  }
0x41: {  	[tilespmem:v5+s16+$0x0] =	vst.idx.msk $0xffff, v4  }
0x42: {  	v5 =	vor.u32 $0x5, v3;
	v4 =	vld.idx.msk [tilespmem:v60+s3+$0x0], $0xffff  }
0x43: {  	v61 =	vadd.s32 $0x6, v2;
	_ =	sdelay $0x3  }
0x44: {  	[tilespmem:v5+s16+$0x0] =	vst.idx.msk $0xffff, v4  }
0x45: {  	v5 =	vor.u32 $0x6, v3;
	v4 =	vld.idx.msk [tilespmem:v61+s3+$0x0], $0xffff  }
0x46: {  	v62 =	vadd.s32 $0x7, v2;
	_ =	sdelay $0x3  }
0x47: {  	[tilespmem:v5+s16+$0x0] =	vst.idx.msk $0xffff, v4  }
0x48: {  	v5 =	vor.u32 $0x7, v3;
	v4 =	vld.idx.msk [tilespmem:v62+s3+$0x0], $0xffff  }
0x49: {  	v63 =	vadd.s32 $0x8, v2;
	_ =	sdelay $0x3  }
0x4a: {  	[tilespmem:v5+s16+$0x0] =	vst.idx.msk $0xffff, v4  }
0x4b: {  	v5 =	vor.u32 $0x8, v3;
	v4 =	vld.idx.msk [tilespmem:v63+s3+$0x0], $0xffff  }
0x4c: {  	v2 =	vadd.s32 $0x9, v2;
	_ =	sdelay $0x3  }
0x4d: {  	[tilespmem:v5+s16+$0x0] =	vst.idx.msk $0xffff, v4  }
0x4e: {  	s22 =	simm.s32 $0x10;
	v3 =	vor.u32 $0x9, v3;
	v2 =	vld.idx.msk [tilespmem:v2+s3+$0x0], $0xffff  }
.LBB2_6:
0x4f: {  	_ =	sdelay $0x2  }
0x50: {  	p0 =	sne.s32 s22, $0x70  }
0x51: {  	s21 =	sadd.s32 $0x10, s21;
	s23 =	smov.u32 s22;
	s22 =	sadd.s32 $0x10, s22;
	[tilespmem:v3+s16+$0x0] =	vst.idx.msk $0xffff, v2  }
0x52: {  	v2 =	vld [tilespmem:s21+$0x0];
	_ =	sdelay $0x4  }
0x53: {  	v2 =	vmul.u32 $0xA, v2;
	_ =	sdelay $0x4  }
0x54: {  	v3 =	vmov s23  }
0x55: {  	v3 =	vshll.u32 v3, $0x7;
	v4 =	vld.idx.msk [tilespmem:v2+s3+$0x0], $0xffff  }
0x56: {  	v3 =	vor.u32 v1, v3  }
0x57: {  	v5 =	vor.u32 $0x1, v2;
	_ =	sdelay $0x3  }
0x58: {  	[tilespmem:v3+s16+$0x0] =	vst.idx.msk $0xffff, v4  }
0x59: {  	v4 =	vld.idx.msk [tilespmem:v5+s3+$0x0], $0xffff  }
0x5a: {  	v5 =	vor.u32 $0x1, v3  }
0x5b: {  	v6 =	vadd.s32 $0x2, v2;
	_ =	sdelay $0x3  }
0x5c: {  	[tilespmem:v5+s16+$0x0] =	vst.idx.msk $0xffff, v4  }
0x5d: {  	v4 =	vld.idx.msk [tilespmem:v6+s3+$0x0], $0xffff  }
0x5e: {  	v5 =	vor.u32 $0x2, v3  }
0x5f: {  	v6 =	vadd.s32 $0x3, v2;
	_ =	sdelay $0x3  }
0x60: {  	[tilespmem:v5+s16+$0x0] =	vst.idx.msk $0xffff, v4  }
0x61: {  	v4 =	vld.idx.msk [tilespmem:v6+s3+$0x0], $0xffff  }
0x62: {  	v5 =	vor.u32 $0x3, v3  }
0x63: {  	v6 =	vadd.s32 $0x4, v2;
	_ =	sdelay $0x3  }
0x64: {  	[tilespmem:v5+s16+$0x0] =	vst.idx.msk $0xffff, v4  }
0x65: {  	v4 =	vld.idx.msk [tilespmem:v6+s3+$0x0], $0xffff  }
0x66: {  	v5 =	vor.u32 $0x4, v3  }
0x67: {  	v6 =	vadd.s32 $0x5, v2;
	_ =	sdelay $0x3  }
0x68: {  	[tilespmem:v5+s16+$0x0] =	vst.idx.msk $0xffff, v4  }
0x69: {  	v4 =	vld.idx.msk [tilespmem:v6+s3+$0x0], $0xffff  }
0x6a: {  	v5 =	vor.u32 $0x5, v3  }
0x6b: {  	v6 =	vadd.s32 $0x6, v2;
	_ =	sdelay $0x3  }
0x6c: {  	[tilespmem:v5+s16+$0x0] =	vst.idx.msk $0xffff, v4  }
0x6d: {  	v4 =	vld.idx.msk [tilespmem:v6+s3+$0x0], $0xffff  }
0x6e: {  	v5 =	vor.u32 $0x6, v3  }
0x6f: {  	v6 =	vadd.s32 $0x7, v2;
	_ =	sdelay $0x3  }
0x70: {  	[tilespmem:v5+s16+$0x0] =	vst.idx.msk $0xffff, v4  }
0x71: {  	v4 =	vld.idx.msk [tilespmem:v6+s3+$0x0], $0xffff  }
0x72: {  	v5 =	vor.u32 $0x7, v3  }
0x73: {  	v6 =	vadd.s32 $0x8, v2;
	_ =	sdelay $0x3  }
0x74: {  	[tilespmem:v5+s16+$0x0] =	vst.idx.msk $0xffff, v4  }
0x75: {  	v4 =	vld.idx.msk [tilespmem:v6+s3+$0x0], $0xffff  }
0x76: {  	v5 =	vor.u32 $0x8, v3  }
0x77: {  	v2 =	vadd.s32 $0x9, v2;
	_ =	sdelay $0x1  }
.Ltmp6:
0x78: {  	(pc) =	sbr.rel @p0 .LBB2_6-.Ltmp6, $4  }
0x79: {  	_ = 	snop  }
0x7a: {  	[tilespmem:v5+s16+$0x0] =	vst.idx.msk $0xffff, v4  }
0x7b: {  	v2 =	vld.idx.msk [tilespmem:v2+s3+$0x0], $0xffff  }
0x7c: {  	v3 =	vor.u32 $0x9, v3  }
0x7d: {  	p0 =	sgt.u32 s19, $0x4C  }
0x7e: {  	s21 =	sshll.u32 @!p0 s19, $0x7  }
0x7f: {  	s21 =	sadd.s32 @!p0 $0x100, s21  }
0x80: {  	s22 =	sand.u32 @!p0 $0x7C00, s21  }
0x81: {  	s21 =	sand.u32 @!p0 $0x300, s21;
	s22 =	sadd.s32 @!p0 s4, s22  }
0x82: {  	s21 =	sor.u32 @!p0 s21, s22  }
0x83: {  	s21 =	sshrl.u32 @!p0 s21, $0x3  }
0x84: {  	s23 =	simm.s32 @!p0 $0x18700;
	[tilespmem:v3+s16+$0x0] =	vst.idx.msk $0xffff, v2;
	s22 =	simm.s32 @!p0 $0x0;
	s21 =	sadd.s32 @!p0 s5, s21  }
0x85: {  	[tilespmem:s23], [sflag:$0x1] =	stream.linear.gather @!p0 [hbm4b:s21+s22], $0x80, $0x38;
	[tilespmem:$0x1C800] =	vst v63  }
0x86: {  	p0 =	seq.s32 s20, $0x0  }
.Ltmp7:
0x87: {  	s31 =	sshll.u32 s19, $0xE;
	(pc) =	sbr.rel @p0 .LBB2_11-.Ltmp7, $4  }
0x88: {  	s21 =	sadd.s32 s9, s31  }
0x89: {  	s21 =	sshrl.u32 s21, $0x3  }
0x8a: {  	s21 =	sadd.s32 s6, s21  }
0x8b: {  	[hbm4b:s21+s3] =	stream.linear.scatter [tilespmem:s16], [sflag:$0x3], $0x4000, $0x38;
	[tilespmem:$0x1C800] =	vst v63  }
.LBB2_8:
0x8c: {  	_ =	swait.ge [sflag:s14], $0x80  }
0x8d: {  	[sflag:s14] =	ssyncset.done $0x0  }
0x8e: {  	[sflag:s14] =	ssyncadd.s32 $0xFFFFFF80  }
0x8f: {  	_ =	swait.ge [sflag:s15], $0x4000  }
0x90: {  	[sflag:s15] =	ssyncset.done $0x0  }
0x91: {  	s20 =	simm.s32 $0x18780;
	[sflag:s15] =	ssyncadd.s32 $0xFFFFC000  }
0x92: {  	v2 =	vld [tilespmem:s20+$0x0];
	_ =	sdelay $0x4  }
0x93: {  	v2 =	vmul.u32 $0xA, v2;
	_ =	sdelay $0x2  }
0x94: {  	s21 =	simm.s32 $0x0  }
0x95: {  	v3 =	vmov s21  }
0x96: {  	v3 =	vshll.u32 v3, $0x7  }
0x97: {  	v3 =	vor.u32 v1, v3;
	v4 =	vld.idx.msk [tilespmem:v2+s3+$0x0], $0xffff  }
0x98: {  	v5 =	vor.u32 $0x1, v2;
	_ =	sdelay $0x3  }
0x99: {  	[tilespmem:v3+s16+$0x0] =	vst.idx.msk $0xffff, v4  }
0x9a: {  	v4 =	vld.idx.msk [tilespmem:v5+s3+$0x0], $0xffff;
	v5 =	vor.u32 $0x1, v3  }
0x9b: {  	v6 =	vadd.s32 $0x2, v2;
	_ =	sdelay $0x3  }
0x9c: {  	[tilespmem:v5+s16+$0x0] =	vst.idx.msk $0xffff, v4  }
0x9d: {  	v5 =	vor.u32 $0x2, v3;
	v4 =	vld.idx.msk [tilespmem:v6+s3+$0x0], $0xffff  }
0x9e: {  	v58 =	vadd.s32 $0x3, v2;
	_ =	sdelay $0x3  }
0x9f: {  	[tilespmem:v5+s16+$0x0] =	vst.idx.msk $0xffff, v4  }
0xa0: {  	v5 =	vor.u32 $0x3, v3;
	v4 =	vld.idx.msk [tilespmem:v58+s3+$0x0], $0xffff  }
0xa1: {  	v59 =	vadd.s32 $0x4, v2;
	_ =	sdelay $0x3  }
0xa2: {  	[tilespmem:v5+s16+$0x0] =	vst.idx.msk $0xffff, v4  }
0xa3: {  	v5 =	vor.u32 $0x4, v3;
	v4 =	vld.idx.msk [tilespmem:v59+s3+$0x0], $0xffff  }
0xa4: {  	v60 =	vadd.s32 $0x5, v2;
	_ =	sdelay $0x3  }
0xa5: {  	[tilespmem:v5+s16+$0x0] =	vst.idx.msk $0xffff, v4  }
0xa6: {  	v5 =	vor.u32 $0x5, v3;
	v4 =	vld.idx.msk [tilespmem:v60+s3+$0x0], $0xffff  }
0xa7: {  	v61 =	vadd.s32 $0x6, v2;
	_ =	sdelay $0x3  }
0xa8: {  	[tilespmem:v5+s16+$0x0] =	vst.idx.msk $0xffff, v4  }
0xa9: {  	v5 =	vor.u32 $0x6, v3;
	v4 =	vld.idx.msk [tilespmem:v61+s3+$0x0], $0xffff  }
0xaa: {  	v62 =	vadd.s32 $0x7, v2;
	_ =	sdelay $0x3  }
0xab: {  	[tilespmem:v5+s16+$0x0] =	vst.idx.msk $0xffff, v4  }
0xac: {  	v5 =	vor.u32 $0x7, v3;
	v4 =	vld.idx.msk [tilespmem:v62+s3+$0x0], $0xffff  }
0xad: {  	v63 =	vadd.s32 $0x8, v2;
	_ =	sdelay $0x3  }
0xae: {  	[tilespmem:v5+s16+$0x0] =	vst.idx.msk $0xffff, v4  }
0xaf: {  	v5 =	vor.u32 $0x8, v3;
	v4 =	vld.idx.msk [tilespmem:v63+s3+$0x0], $0xffff  }
0xb0: {  	v2 =	vadd.s32 $0x9, v2;
	_ =	sdelay $0x3  }
0xb1: {  	[tilespmem:v5+s16+$0x0] =	vst.idx.msk $0xffff, v4  }
0xb2: {  	s21 =	simm.s32 $0x10;
	v3 =	vor.u32 $0x9, v3;
	v2 =	vld.idx.msk [tilespmem:v2+s3+$0x0], $0xffff  }
.LBB2_9:
0xb3: {  	_ =	sdelay $0x2  }
0xb4: {  	p0 =	sne.s32 s21, $0x70  }
0xb5: {  	s20 =	sadd.s32 $0x10, s20;
	s22 =	smov.u32 s21;
	s21 =	sadd.s32 $0x10, s21;
	[tilespmem:v3+s16+$0x0] =	vst.idx.msk $0xffff, v2  }
0xb6: {  	v2 =	vld [tilespmem:s20+$0x0];
	_ =	sdelay $0x4  }
0xb7: {  	v2 =	vmul.u32 $0xA, v2;
	_ =	sdelay $0x4  }
0xb8: {  	v3 =	vmov s22  }
0xb9: {  	v3 =	vshll.u32 v3, $0x7;
	v4 =	vld.idx.msk [tilespmem:v2+s3+$0x0], $0xffff  }
0xba: {  	v3 =	vor.u32 v1, v3  }
0xbb: {  	v5 =	vor.u32 $0x1, v2;
	_ =	sdelay $0x3  }
0xbc: {  	[tilespmem:v3+s16+$0x0] =	vst.idx.msk $0xffff, v4  }
0xbd: {  	v4 =	vld.idx.msk [tilespmem:v5+s3+$0x0], $0xffff  }
0xbe: {  	v5 =	vor.u32 $0x1, v3  }
0xbf: {  	v6 =	vadd.s32 $0x2, v2;
	_ =	sdelay $0x3  }
0xc0: {  	[tilespmem:v5+s16+$0x0] =	vst.idx.msk $0xffff, v4  }
0xc1: {  	v4 =	vld.idx.msk [tilespmem:v6+s3+$0x0], $0xffff  }
0xc2: {  	v5 =	vor.u32 $0x2, v3  }
0xc3: {  	v6 =	vadd.s32 $0x3, v2;
	_ =	sdelay $0x3  }
0xc4: {  	[tilespmem:v5+s16+$0x0] =	vst.idx.msk $0xffff, v4  }
0xc5: {  	v4 =	vld.idx.msk [tilespmem:v6+s3+$0x0], $0xffff  }
0xc6: {  	v5 =	vor.u32 $0x3, v3  }
0xc7: {  	v6 =	vadd.s32 $0x4, v2;
	_ =	sdelay $0x3  }
0xc8: {  	[tilespmem:v5+s16+$0x0] =	vst.idx.msk $0xffff, v4  }
0xc9: {  	v4 =	vld.idx.msk [tilespmem:v6+s3+$0x0], $0xffff  }
0xca: {  	v5 =	vor.u32 $0x4, v3  }
0xcb: {  	v6 =	vadd.s32 $0x5, v2;
	_ =	sdelay $0x3  }
0xcc: {  	[tilespmem:v5+s16+$0x0] =	vst.idx.msk $0xffff, v4  }
0xcd: {  	v4 =	vld.idx.msk [tilespmem:v6+s3+$0x0], $0xffff  }
0xce: {  	v5 =	vor.u32 $0x5, v3  }
0xcf: {  	v6 =	vadd.s32 $0x6, v2;
	_ =	sdelay $0x3  }
0xd0: {  	[tilespmem:v5+s16+$0x0] =	vst.idx.msk $0xffff, v4  }
0xd1: {  	v4 =	vld.idx.msk [tilespmem:v6+s3+$0x0], $0xffff  }
0xd2: {  	v5 =	vor.u32 $0x6, v3  }
0xd3: {  	v6 =	vadd.s32 $0x7, v2;
	_ =	sdelay $0x3  }
0xd4: {  	[tilespmem:v5+s16+$0x0] =	vst.idx.msk $0xffff, v4  }
0xd5: {  	v4 =	vld.idx.msk [tilespmem:v6+s3+$0x0], $0xffff  }
0xd6: {  	v5 =	vor.u32 $0x7, v3  }
0xd7: {  	v6 =	vadd.s32 $0x8, v2;
	_ =	sdelay $0x3  }
0xd8: {  	[tilespmem:v5+s16+$0x0] =	vst.idx.msk $0xffff, v4  }
0xd9: {  	v4 =	vld.idx.msk [tilespmem:v6+s3+$0x0], $0xffff  }
0xda: {  	v5 =	vor.u32 $0x8, v3  }
0xdb: {  	v2 =	vadd.s32 $0x9, v2;
	_ =	sdelay $0x1  }
.Ltmp8:
0xdc: {  	(pc) =	sbr.rel @p0 .LBB2_9-.Ltmp8, $4  }
0xdd: {  	_ = 	snop  }
0xde: {  	[tilespmem:v5+s16+$0x0] =	vst.idx.msk $0xffff, v4  }
0xdf: {  	v2 =	vld.idx.msk [tilespmem:v2+s3+$0x0], $0xffff  }
0xe0: {  	v3 =	vor.u32 $0x9, v3  }
0xe1: {  	p0 =	sgt.u32 s19, $0x4C  }
0xe2: {  	s20 =	sshll.u32 @!p0 s19, $0x7  }
0xe3: {  	s20 =	sadd.s32 @!p0 $0x100, s20  }
0xe4: {  	s21 =	sand.u32 @!p0 $0x7C00, s20  }
0xe5: {  	s20 =	sand.u32 @!p0 $0x380, s20;
	s21 =	sadd.s32 @!p0 s4, s21  }
0xe6: {  	s20 =	sor.u32 @!p0 s20, s21  }
0xe7: {  	s20 =	sshrl.u32 @!p0 s20, $0x3  }
0xe8: {  	s22 =	simm.s32 @!p0 $0x18780;
	[tilespmem:v3+s16+$0x0] =	vst.idx.msk $0xffff, v2;
	s21 =	simm.s32 @!p0 $0x0;
	s20 =	sadd.s32 @!p0 s5, s20  }
0xe9: {  	[tilespmem:s22], [sflag:$0x2] =	stream.linear.gather @!p0 [hbm4b:s20+s21], $0x80, $0x38;
	[tilespmem:$0x1C800] =	vst v63  }
.Ltmp9:
0xea: {  	s31 =	sshll.u32 s19, $0xE;
	(pc) =	sbr.rel .LBB2_11-.Ltmp9, $4  }
0xeb: {  	s20 =	sadd.s32 s9, s31  }
0xec: {  	s20 =	sshrl.u32 s20, $0x3  }
0xed: {  	s20 =	sadd.s32 s6, s20  }
0xee: {  	[hbm4b:s20+s3] =	stream.linear.scatter [tilespmem:s16], [sflag:$0x3], $0x4000, $0x38;
	[tilespmem:$0x1C800] =	vst v63  }
.LBB2_13:
0xef: {  	_ =	sfence.sel $0x180000  }
0xf0: {  	[bflag:$0x0] =	sbarrier.arrive $0xFFFF  }
0xf1: {  	p0 =	sne.s32 s0, $0x0;
	_ =	strace $0x90000047  }
0xf2: {  	s0 =	sadd.s32 @!p0 $0x100000, s1;
	[bflag:$0x2] =	sbarrier.arrive $0xFFFF  }
0xf3: {  	[sflag:s0] =	ssyncadd.tile.s32 @!p0 $0x1;
	_ =	shalt  }
.Lfunc_end2:
_tile_overlayer_lowered:
.L_overlay_start_2:
0xf4: {  	(tag) =	ssettag $0x2  }
0xf5: {  	s0 =	rddreg [dreg:$0x0];
	s2 =	stileid.u32  }
0xf6: {  	s1 =	rddreg [dreg:$0x1];
	p0 =	sne.s32 s2, $0x0  }
0xf7: {  	s3 =	rddreg [dreg:$0x2];
	[bflag:$0x3] =	sbarrier.arrive $0xFFFF;
	s2 =	simm.s32 @!p0 $0x1C04  }
0xf8: {  	[timem:s3], [sflag:s2] =	dma.local @!p0 [hbm:s0], s1  }
0xf9: {  	s0 =	simm.s32 @!p0 $0x4  }
0xfa: {  	_ =	swait.ge @!p0 [sflag:s0], s1  }
0xfb: {  	s1 =	ssub.s32 @!p0 $0x0, s1;
	[sflag:s0] =	ssyncset.done @!p0 $0x0  }
0xfc: {  	[sflag:s0] =	ssyncadd.s32 @!p0 s1  }
0xfd: {  	[bflag:$0x3] =	sbarrier.arrive $0xFFFF  }
0xfe: {  	_ =	shalt  }

// kernel: kernel.9.cloned.1.call-start
scs
__scs_entry_jumppad:
0x0: {  	(pc) =	sbr.rel $0x88, $3  }
0x1: {  	(tag) =	ssettag $0x0;
	lr =	simm.s32 $0x1  }
0x2: {  	[smem:$0x3F9C] =	sst lr;
	_ =	strace $0xD0000000  }
0x3: {  	_ = 	snop  }
0x4: {  	_ = 	snop  }
0x5: {  	_ = 	snop  }
0x6: {  	_ = 	snop  }
0x7: {  	_ = 	snop  }
__scs_overlays_trampoline_lowered:
0x8: {  	[smem:$0x3FAB] =	sst s0  }
0x9: {  	[smem:$0x3FAC] =	sst s1  }
0xa: {  	[smem:$0x3FAD] =	sst s2  }
0xb: {  	[smem:$0x3FAE] =	sst s3  }
0xc: {  	[smem:$0x3FAF] =	sst s4  }
0xd: {  	[smem:$0x3FB0] =	sst s5  }
0xe: {  	[smem:$0x3FB1] =	sst s6  }
0xf: {  	[smem:$0x3FB2] =	sst s7  }
0x10: {  	[smem:$0x3FB3] =	sst s8  }
0x11: {  	[smem:$0x3FB4] =	sst s9;
	s0 =	simm.s32 @!p0 $0x0  }
0x12: {  	s1 =	sld [smem:$0x3F9A];
	s0 =	simm.s32 @p0 $0x1  }
0x13: {  	[smem:$0x3FB5] =	sst s0;
	s0 =	simm.s32 @!p1 $0x0  }
0x14: {  	s2 =	sld [smem:$0x3F99];
	s0 =	simm.s32 @p1 $0x1  }
0x15: {  	[smem:$0x3FB6] =	sst s0;
	s0 =	simm.s32 @!p2 $0x0  }
0x16: {  	s3 =	sld [smem:$0x3FDB];
	s0 =	simm.s32 @p2 $0x1  }
0x17: {  	s4 =	simm.s32 $0x1BF5;
	[smem:$0x3FB8] =	sst s0  }
0x18: {  	s0 =	sld [smem:$0x3F9B];
	_ =	swait.ge [sflag:s4], $0x0  }
0x19: {  	s7 =	sld [smem:$0x3F9C]  }
0x1a: {  	s8 =	sadd.s32 $0xFFFFE003, lr  }
0x1b: {  	s9 =	sadd.s32 $0xFFFFFEF7, lr;
	s5 =	simm.s32 $0xFFFFFFFF;
	p2 =	slt.u32 s8, $0xFFFFF086  }
0x1c: {  	p1 =	slt.u32 s9, $0xF7A;
	s5 =	simm.s32 @!p2 $0x0  }
0x1d: {  	s5 =	simm.s32 @p1 $0x1;
	p0 =	seq.s32 s7, s2  }
0x1e: {  	s7 =	smul.u32 @!p0 $0xF7A, s2;
	p2 =	seq.s32 @!p0 s5, $0x0  }
0x1f: {  	s9 =	smul.u32 $0xF7A, s1;
	s8 =	simm.s32 @!p0 $0x1BF5;
	p2 =	por !p2, p0  }
0x20: {  	[sflag:s8] =	ssyncset.s32 @!p0 $0xFFFFF086;
	s6 =	sadd.s32 @!p0 s3, s7;
	s7 =	simm.s32 @!p0 $0x108  }
0x21: {  	s3 =	sadd.s32 s3, s9;
	s6 =	sadd.s32 @!p0 $0x88, s6;
	s7 =	simm.s32 @p2 $0x1082  }
0x22: {  	[simem:s7], [sflag:s8] =	dma.local @!p0 [hbm:s6], $0xF7A  }
0x23: {  	s9 =	sor.u32 $0xD0000000, s2;
	s6 =	simm.s32 $0x108;
	_ =	swait.ge @!p0 [sflag:s8], $0x0  }
0x24: {  	s3 =	sadd.s32 $0x88, s3;
	s6 =	simm.s32 @!p1 $0x1082;
	[sflag:s4] =	ssyncset.s32 $0xFFFFF086  }
0x25: {  	[simem:s6], [sflag:s4] =	dma.local [hbm:s3], $0xF7A  }
0x26: {  	[smem:$0x3F9C] =	sst s1;
	(tag) =	ssettag s2;
	_ =	strace s9  }
0x27: {  	s1 =	sld [smem:$0x3FAC]  }
0x28: {  	s2 =	sld [smem:$0x3FAD]  }
0x29: {  	s4 =	sld [smem:$0x3FAF]  }
0x2a: {  	p0 =	seq.s32 s5, $0x0;
	s5 =	sld [smem:$0x3FB0]  }
0x2b: {  	s6 =	sld [smem:$0x3FB1]  }
0x2c: {  	s7 =	sld [smem:$0x3FB2]  }
0x2d: {  	s3 =	simm.s32 $0x108;
	s8 =	sld [smem:$0x3FB3]  }
0x2e: {  	s3 =	simm.s32 @!p0 $0x1082;
	s9 =	sld [smem:$0x3FB4]  }
0x2f: {  	lr =	sadd.s32 s0, s3;
	s0 =	sld [smem:$0x3FAB]  }
0x30: {  	s3 =	sld [smem:$0x3FAE]  }
0x31: {  	[smem:$0x3FB7] =	sst s10  }
0x32: {  	s10 =	sld [smem:$0x3FB5];
	_ =	sdelay $0x3  }
0x33: {  	p0 =	seq.s32 s10, $0x1;
	s10 =	sld [smem:$0x3FB7];
	_ =	sdelay $0x3  }
0x34: {  	[smem:$0x3FB7] =	sst s10  }
0x35: {  	s10 =	sld [smem:$0x3FB6];
	_ =	sdelay $0x3  }
0x36: {  	p1 =	seq.s32 s10, $0x1;
	s10 =	sld [smem:$0x3FB7];
	_ =	sdelay $0x3  }
0x37: {  	[smem:$0x3FB7] =	sst s10  }
0x38: {  	s10 =	sld [smem:$0x3FB8]  }
0x39: {  	_ = 	snop;
	(pc) =	sbr.ind lr, $3  }
0x3a: {  	_ = 	snop  }
0x3b: {  	_ = 	snop  }
0x3c: {  	p2 =	seq.s32 s10, $0x1;
	s10 =	sld [smem:$0x3FB7]  }
0x3d: {  	_ =	shalt  }
0x3e: {  	_ =	shalt  }
0x3f: {  	_ =	shalt  }
0x40: {  	_ =	shalt  }
0x41: {  	_ =	shalt  }
0x42: {  	_ =	shalt  }
0x43: {  	_ =	shalt  }
0x44: {  	_ =	shalt  }
0x45: {  	_ =	shalt  }
0x46: {  	_ =	shalt  }
0x47: {  	_ =	shalt  }
0x48: {  	_ =	shalt  }
0x49: {  	_ =	shalt  }
0x4a: {  	_ =	shalt  }
0x4b: {  	_ =	shalt  }
0x4c: {  	_ =	shalt  }
0x4d: {  	_ =	shalt  }
0x4e: {  	_ =	shalt  }
0x4f: {  	_ =	shalt  }
0x50: {  	_ =	shalt  }
0x51: {  	_ =	shalt  }
0x52: {  	_ =	shalt  }
0x53: {  	_ =	shalt  }
0x54: {  	_ =	shalt  }
0x55: {  	_ =	shalt  }
0x56: {  	_ =	shalt  }
0x57: {  	_ =	shalt  }
0x58: {  	_ =	shalt  }
0x59: {  	_ =	shalt  }
0x5a: {  	_ =	shalt  }
0x5b: {  	_ =	shalt  }
0x5c: {  	_ =	shalt  }
0x5d: {  	_ =	shalt  }
0x5e: {  	_ =	shalt  }
0x5f: {  	_ =	shalt  }
0x60: {  	_ =	shalt  }
0x61: {  	_ =	shalt  }
0x62: {  	_ =	shalt  }
0x63: {  	_ =	shalt  }
0x64: {  	_ =	shalt  }
0x65: {  	_ =	shalt  }
0x66: {  	_ =	shalt  }
0x67: {  	_ =	shalt  }
0x68: {  	_ =	shalt  }
0x69: {  	_ =	shalt  }
0x6a: {  	_ =	shalt  }
0x6b: {  	_ =	shalt  }
0x6c: {  	_ =	shalt  }
0x6d: {  	_ =	shalt  }
0x6e: {  	_ =	shalt  }
0x6f: {  	_ =	shalt  }
0x70: {  	_ =	shalt  }
0x71: {  	_ =	shalt  }
0x72: {  	_ =	shalt  }
0x73: {  	_ =	shalt  }
0x74: {  	_ =	shalt  }
0x75: {  	_ =	shalt  }
0x76: {  	_ =	shalt  }
0x77: {  	_ =	shalt  }
0x78: {  	_ =	shalt  }
0x79: {  	_ =	shalt  }
0x7a: {  	_ =	shalt  }
0x7b: {  	_ =	shalt  }
0x7c: {  	_ =	shalt  }
0x7d: {  	_ =	shalt  }
0x7e: {  	_ =	shalt  }
0x7f: {  	_ =	shalt  }
0x80: {  	_ =	shalt  }
0x81: {  	_ =	shalt  }
0x82: {  	_ =	shalt  }
0x83: {  	_ =	shalt  }
0x84: {  	_ =	shalt  }
0x85: {  	_ =	shalt  }
0x86: {  	_ =	shalt  }
0x87: {  	_ =	shalt  }
.Lfunc_end0:
.L_simem_size_0:
called_computation.1_lowered:
.L_overlay_start_0:
0x88: {  	s2 =	sld [smem:$0x3FD9]  }
0x89: {  	s3 =	sld [smem:$0x3FFE];
	_ =	sdelay $0x1  }
0x8a: {  	s1 =	srdreg.scid  }
0x8b: {  	s0 =	sand.u32 $0x1, s1  }
0x8c: {  	s16 =	sshll.u32 s0, $0xA;
	s2 =	sadd.s32 s3, s2  }
0x8d: {  	s2 =	sadd.s32 s2, s16  }
0x8e: {  	[smem:$0x3FC3] =	sst s2  }
0x8f: {  	_ = 	snop  }
0x90: {  	(tm) =	ssettm $0x1  }
0x91: {  	s17 =	sld [smem:$0x3FFB];
	_ =	sdelay $0x3  }
0x92: {  	_ =	strace s17  }
0x93: {  	s2 =	sld [smem:$0x3FFC];
	_ =	sdelay $0x3  }
0x94: {  	_ =	strace s2  }
0x95: {  	s2 =	sld [smem:$0x3FFD];
	_ =	sdelay $0x3  }
0x96: {  	_ =	strace s2  }
0x97: {  	_ =	strace $0x8FFFFFFF  }
0x98: {  	s18 =	sld [smem:$0x3FDB];
	_ =	sdelay $0x1  }
0x99: {  	s19 =	simm.s32 $_scs_section_size  }
0x9a: {  	s4 =	simm.s32 $_size__tile_overlayer_lowered;
	s5 =	simm.s32 $_tile_overlayer_lowered  }
0x9b: {  	s22 =	simm.s32 $0x1BFF;
	s21 =	sshll.u32 s5, $0x1;
	s2 =	sadd.s32 s19, s18  }
0x9c: {  	s6 =	simm.s32 $0x0;
	s20 =	sshll.u32 s4, $0x1;
	s4 =	sadd.s32 s21, s2  }
0x9d: {  	[timem:s6], [sflag:s22] =	dma.local [hbm:s4], s20  }
0x9e: {  	_ =	swait.ge [sflag:s22], s20  }
0x9f: {  	s3 =	ssub.s32 $0x0, s20;
	[sflag:s22] =	ssyncset.done $0x0  }
0xa0: {  	[sflag:s22] =	ssyncadd.s32 s3;
	_ =	sdelay $0x1  }
0xa1: {  	s23 =	simm.s32 $0x1B8B  }
0xa2: {  	_ =	swait.ge [sflag:s23], $0x1  }
0xa3: {  	[sflag:s23] =	ssyncset.done $0x0  }
0xa4: {  	s25 =	simm.s32 $0x1B8E;
	s24 =	sld [smem:$0x3FFE];
	[sflag:s23] =	ssyncadd.s32 $0xFFFFFFFF  }
0xa5: {  	s26 =	simm.s32 $execute0_lowered;
	[smem:$0x3FD2] =	sst s25  }
0xa6: {  	s4 =	sshll.u32 s26, $0x1;
	_ =	strace $0x80000049;
	[dreg:$0x1] =	wrdreg $0xFFFFFFFF  }
0xa7: {  	s28 =	simm.s32 $_size_execute0_lowered;
	s2 =	sadd.s32 s2, s4;
	[dreg:$0x0] =	wrdreg $0x0  }
0xa8: {  	s4 =	sshll.u32 s28, $0x1;
	[dreg:$0x2] =	wrdreg s2  }
0xa9: {  	[dreg:$0x3] =	wrdreg s4  }
0xaa: {  	[dreg:$0x4] =	wrdreg $0xC0  }
0xab: {  	_ =	task [dreg:s6], $0x5FFFF  }
0xac: {  	[dreg:$0x1] =	wrdreg $0xFFFFFFFF  }
0xad: {  	[dreg:$0x0] =	wrdreg $0x60  }
0xae: {  	[dreg:$0x2] =	wrdreg s24  }
0xaf: {  	[dreg:$0x3] =	wrdreg $0xC1000  }
0xb0: {  	[dreg:$0x4] =	wrdreg $0x9  }
0xb1: {  	_ =	task.clear_ibuf [dreg:s6], $0x5FFFF;
	_ =	strace $0x90000049  }
0xb2: {  	s29 =	simm.s32 $0x9;
	_ =	strace $0x8000004B  }
0xb3: {  	_ =	swait.ge [sflag:s29], $0x1  }
0xb4: {  	[sflag:s29] =	ssyncadd.s32 $0xFFFFFFFF  }
0xb5: {  	_ =	strace $0x9000004B  }
0xb6: {  	_ =	sfence  }
0xb7: {  	s30 =	sld [smem:$0x0];
	_ =	sdelay $0x2  }
0xb8: {  	s31 =	sshll.u32 s1, $0xD;
	s1 =	sshrl.u32 s1, $0x2  }
0xb9: {  	s3 =	sand.u32 $0x4000, s31;
	s1 =	sadd.s32 s1, s30  }
0xba: {  	s0 =	sor.u32 s3, s0;
	s1 =	sshll.u32 s1, $0x11  }
0xbb: {  	s0 =	sor.u32 s1, s0  }
0xbc: {  	s0 =	sadd.s32 $0x8F2B, s0  }
0xbd: {  	[sflag:s0] =	ssyncadd.remote.s32 $0x1  }
0xbe: {  	_ =	sfence.sel $0xFFFF  }
0xbf: {  	[dreg:$0x0] =	wrdreg $0xFFFFFFFF;
	(pc) =	sbr.abs _section_cstart, $3  }
0xc0: {  	[dreg:$0x1] =	wrdreg $0xFFFFFFFF  }
0xc1: {  	_ =	task.clear_ibuf [dreg:s6], $0x2FFFF;
	_ =	strace $0x9FFFFFFF  }
0xc2: {  	(tm) =	ssettm $0x7FFFFFFF  }
0xc3: {  	_ =	shalt  }
tec
execute0_lowered:
.L_overlay_start_1:
0x0: {  	(tag) =	ssettag $0x1  }
0x1: {  	s0 =	rddreg [dreg:$0x0]  }
0x2: {  	s1 =	rddreg [dreg:$0x1]  }
0x3: {  	s2 =	simm.s32 $0x0;
	s3 =	srdreg.scid;
	s7 =	stileid.u32  }
0x4: {  	s28 =	simm.s32 $0x2;
	s29 =	simm.s32 $0x1;
	[smem:$0x7FF] =	sst s2  }
0x5: {  	s30 =	simm.s32 $0x0;
	s4 =	sadd.s32 $0x9F0200, s0;
	s5 =	sadd.s32 $0x9E6200, s0  }
0x6: {  	s3 =	sand.u32 $0x1, s3;
	s6 =	sshll.u32 s7, $0x1;
	s9 =	smul.u32 $0x4F000, s7  }
0x7: {  	_ =	strace $0x8000004A;
	s13 =	sor.u32 s3, s6;
	s6 =	smul.u32 $0x278, s7  }
0x8: {  	s8 =	ssub.s32 $0x2, s3;
	s23 =	sshrl.u32 s9, $0x2;
	s9 =	smul.u32 $0x13C000, s13  }
0x9: {  	s7 =	sadd.s32 $0x400, s0;
	s10 =	sshrl.u32 s8, $0x1;
	s15 =	smul.u32 $0x27800, s13  }
0xa: {  	s22 =	ssub.s32 s8, s10;
	s8 =	smul.u32 $0x2800, s13;
	s11 =	sshll.u32 s6, $0x7  }
0xb: {  	s10 =	sadd.s32 s23, s1;
	s23 =	simm.s32 $0x3;
	s14 =	sadd.s32 $0x10000, s11  }
0xc: {  	s11 =	smul.u32 $0x13C000, s3;
	s25 =	sshrl.u32 s9, $0x3;
	s15 =	sadd.s32 s4, s15  }
0xd: {  	s18 =	smax.u32 s22, $0x1;
	s19 =	sadd.s32 $0x4000, s10;
	s20 =	sadd.s32 $0x8000, s10  }
0xe: {  	s21 =	sadd.s32 $0xC000, s10;
	s22 =	simm.s32 $0x8100;
	s12 =	sadd.s32 s14, s1  }
0xf: {  	s24 =	sshrl.u32 s8, $0x3;
	[dreg:$0x3] =	wrdreg s15;
	s3 =	sadd.s32 s4, s25  }
0x10: {  	s13 =	sadd.s32 s5, s24;
	s14 =	sadd.s32 s11, s14;
	s3 =	sadd.s32 $0x800, s3  }
0x11: {  	v0 =	vlaneseq.u32;
	s14 =	sshrl.u32 s14, $0x3;
	s26 =	sadd.s32 $0x10, s13;
	[dreg:$0x5] =	wrdreg s3  }
0x12: {  	v2 =	vshrl.u32 v0, $0x2;
	v3 =	vand.u32 $0x3, v0;
	s25 =	simm.s32 $0x80;
	[dreg:$0x4] =	wrdreg s26;
	s31 =	sadd.s32 s7, s14  }
0x13: {  	v1 =	vimm.f32 $0.0e+00;
	v2 =	vmul.u32 $0x80, v2;
	v3 =	vor.u32 $0x10, v3;
	s24 =	simm.s32 $0x100;
	s26 =	simm.s32 $0x4100;
	[dreg:$0x6] =	wrdreg s31  }
.LBB2_1:
0x14: {  	s0 =	simm.s32 $0x0;
	s3 =	simm.s32 $0x200  }
.LBB2_2:
0x15: {  	p0 =	sne.s32 s3, $0xFE00;
	[tilespmem:s0+$0x8170] =	vst v1  }
0x16: {  	[tilespmem:s0+$0x8100] =	vst v1  }
0x17: {  	[tilespmem:s0+$0x8110] =	vst v1  }
.Ltmp0:
0x18: {  	[tilespmem:s0+$0x8120] =	vst v1;
	(pc) =	sbr.rel @p0 .LBB2_2-.Ltmp0, $4  }
0x19: {  	[tilespmem:s0+$0x8130] =	vst v1  }
0x1a: {  	[tilespmem:s0+$0x8140] =	vst v1  }
0x1b: {  	[tilespmem:s0+$0x8150] =	vst v1  }
0x1c: {  	[tilespmem:s0+$0x8160] =	vst v1;
	s0 =	sshra.s32 s3, $0x2;
	s3 =	sadd.s32 $0x200, s3  }
0x1d: {  	[tilespmem:s0+$0x8170] =	vst v1  }
0x1e: {  	[tilespmem:s0+$0x8100] =	vst v1  }
0x1f: {  	[tilespmem:s0+$0x8110] =	vst v1  }
0x20: {  	[tilespmem:s0+$0x8120] =	vst v1  }
0x21: {  	[tilespmem:s0+$0x8130] =	vst v1  }
0x22: {  	[tilespmem:s0+$0x8140] =	vst v1  }
0x23: {  	[tilespmem:s0+$0x8150] =	vst v1  }
0x24: {  	[tilespmem:s0+$0x8160] =	vst v1  }
0x25: {  	[spmem:s10] =	stream.linear.scatter [tilespmem:s22], [sflag:$0x3], $0x4000, $0x38;
	[tilespmem:$0x1FD00] =	vst v63  }
0x26: {  	_ =	swait.ge [sflag:s23], $0x4000  }
0x27: {  	[sflag:s23] =	ssyncset.done $0x0  }
0x28: {  	[sflag:s23] =	ssyncadd.s32 $0xFFFFC000  }
0x29: {  	[spmem:s19] =	stream.linear.scatter [tilespmem:s22], [sflag:$0x3], $0x4000, $0x38;
	[tilespmem:$0x1FD00] =	vst v63  }
0x2a: {  	_ =	swait.ge [sflag:s23], $0x4000  }
0x2b: {  	[sflag:s23] =	ssyncset.done $0x0  }
0x2c: {  	[sflag:s23] =	ssyncadd.s32 $0xFFFFC000  }
0x2d: {  	[spmem:s20] =	stream.linear.scatter [tilespmem:s22], [sflag:$0x3], $0x4000, $0x38;
	[tilespmem:$0x1FD00] =	vst v63  }
0x2e: {  	_ =	swait.ge [sflag:s23], $0x4000  }
0x2f: {  	[sflag:s23] =	ssyncset.done $0x0  }
0x30: {  	[sflag:s23] =	ssyncadd.s32 $0xFFFFC000  }
0x31: {  	[spmem:s21] =	stream.linear.scatter [tilespmem:s22], [sflag:$0x3], $0x4000, $0x38;
	[tilespmem:$0x1FD00] =	vst v63  }
0x32: {  	_ =	swait.ge [sflag:s23], $0x4000  }
0x33: {  	[sflag:s23] =	ssyncset.done $0x0  }
0x34: {  	[sflag:s23] =	ssyncadd.s32 $0xFFFFC000  }
0x35: {  	[spmem:s12] =	stream.linear.scatter [tilespmem:s22], [sflag:$0x3], $0x3C00, $0x38;
	[tilespmem:$0x1FD00] =	vst v63  }
0x36: {  	_ =	swait.ge [sflag:s23], $0x3C00  }
0x37: {  	[sflag:s23] =	ssyncset.done $0x0  }
0x38: {  	[sflag:s23] =	ssyncadd.s32 $0xFFFFC400  }
0x39: {  	s31 =	simm.s32 $0x0;
	[bflag:$0x0] =	sbarrier.arrive $0xFFFF  }
0x3a: {  	[tilespmem:s31], [sflag:$0x1] =	stream.linear.gather [hbm4b:s13+s31], $0x80, $0x38;
	[tilespmem:$0x1FD00] =	vst v63  }
0x3b: {  	s15 =	rddreg [dreg:$0x3]  }
0x3c: {  	[tilespmem:s24], [sflag:$0x1] =	stream.linear.gather [hbm4b:s15+s31], $0x4000, $0x38;
	[tilespmem:$0x1FD00] =	vst v63  }
.Ltmp1:
0x3d: {  	_ = 	snop;
	(pc) =	sbr.rel .LBB2_4-.Ltmp1, $4  }
0x3e: {  	s16 =	rddreg [dreg:$0x4]  }
0x3f: {  	[tilespmem:s25], [sflag:$0x2] =	stream.linear.gather [hbm4b:s16+s31], $0x80, $0x38;
	[tilespmem:$0x1FD00] =	vst v63  }
0x40: {  	s17 =	rddreg [dreg:$0x5]  }
0x41: {  	[tilespmem:s26], [sflag:$0x2] =	stream.linear.gather [hbm4b:s17+s31], $0x4000, $0x38;
	[tilespmem:$0x1FD00] =	vst v63  }
.LBB2_11:
0x42: {  	s31 =	sadd.s32 $0x1, s31  }
0x43: {  	p0 =	sne.s32 s31, $0x4F  }
.Ltmp2:
0x44: {  	_ = 	snop;
	(pc) =	sbr.rel @!p0 .LBB2_12-.Ltmp2, $1  }
0x45: {  	_ =	sdelay $0x3  }
.LBB2_4:
0x46: {  	s0 =	sand.u32 $0x1, s31  }
0x47: {  	p0 =	seq.s32 s0, $0x1  }
.Ltmp3:
0x48: {  	_ = 	snop;
	(pc) =	sbr.rel @p0 .LBB2_8-.Ltmp3, $1  }
0x49: {  	_ =	sdelay $0x3  }
0x4a: {  	s3 =	simm.s32 $0x0  }
0x4b: {  	v4 =	vmov s3  }
0x4c: {  	_ =	swait.ge [sflag:s29], $0x80;
	v4 =	vshll.u32 v4, $0x7  }
0x4d: {  	[sflag:s29] =	ssyncset.done $0x0;
	v5 =	vor.u32 v0, v4  }
0x4e: {  	[sflag:s29] =	ssyncadd.s32 $0xFFFFFF80  }
0x4f: {  	_ =	swait.ge [sflag:s29], $0x4000  }
0x50: {  	[sflag:s29] =	ssyncset.done $0x0  }
0x51: {  	[sflag:s29] =	ssyncadd.s32 $0xFFFFC000  }
0x52: {  	s15 =	simm.s32 $0x80;
	v6 =	vld.idx.msk [tilespmem:v5+s24+$0x0], $0xffff  }
0x53: {  	v7 =	vor.u32 s15, v0;
	_ =	sdelay $0x3  }
0x54: {  	[tilespmem:v5+s22+$0x0] =	vst.idx.msk $0xffff, v6  }
0x55: {  	s16 =	simm.s32 $0x100;
	v5 =	vld.idx.msk [tilespmem:v7+s24+$0x0], $0xffff  }
0x56: {  	v6 =	vor.u32 s16, v0;
	_ =	sdelay $0x3  }
0x57: {  	[tilespmem:v7+s22+$0x0] =	vst.idx.msk $0xffff, v5  }
0x58: {  	s17 =	simm.s32 $0x180;
	v5 =	vld.idx.msk [tilespmem:v6+s24+$0x0], $0xffff  }
0x59: {  	v7 =	vor.u32 s17, v0;
	_ =	sdelay $0x3  }
0x5a: {  	[tilespmem:v6+s22+$0x0] =	vst.idx.msk $0xffff, v5  }
0x5b: {  	v4 =	vor.u32 v2, v4;
	v5 =	vld.idx.msk [tilespmem:v7+s24+$0x0], $0xffff  }
0x5c: {  	v4 =	vor.u32 v3, v4;
	_ =	sdelay $0x3  }
0x5d: {  	s3 =	simm.s32 $0x4;
	[tilespmem:v7+s22+$0x0] =	vst.idx.msk $0xffff, v5  }
0x5e: {  	s14 =	simm.s32 $0x8;
	v6 =	vmov s3;
	v5 =	vld.idx.msk [tilespmem:v4+s24+$0x0], $0xffff  }
.LBB2_6:
0x5f: {  	p0 =	sne.s32 s14, $0x7C;
	v6 =	vshll.u32 v6, $0x7  }
0x60: {  	v7 =	vor.u32 v0, v6;
	_ =	sdelay $0x3  }
0x61: {  	[tilespmem:v4+s22+$0x0] =	vst.idx.msk $0xffff, v5  }
0x62: {  	s15 =	sshll.u32 s3, $0x7;
	s3 =	smov.u32 s14;
	v4 =	vld.idx.msk [tilespmem:v7+s24+$0x0], $0xffff  }
0x63: {  	s16 =	sadd.s32 $0x80, s15  }
0x64: {  	v5 =	vor.u32 s16, v0;
	_ =	sdelay $0x3  }
0x65: {  	[tilespmem:v7+s22+$0x0] =	vst.idx.msk $0xffff, v4  }
0x66: {  	v4 =	vld.idx.msk [tilespmem:v5+s24+$0x0], $0xffff  }
0x67: {  	s16 =	sadd.s32 $0x100, s15  }
0x68: {  	v7 =	vor.u32 s16, v0;
	_ =	sdelay $0x3  }
0x69: {  	[tilespmem:v5+s22+$0x0] =	vst.idx.msk $0xffff, v4  }
0x6a: {  	v4 =	vld.idx.msk [tilespmem:v7+s24+$0x0], $0xffff  }
0x6b: {  	s15 =	sadd.s32 $0x180, s15  }
0x6c: {  	v5 =	vor.u32 s15, v0;
	_ =	sdelay $0x3  }
0x6d: {  	[tilespmem:v7+s22+$0x0] =	vst.idx.msk $0xffff, v4  }
0x6e: {  	v7 =	vld.idx.msk [tilespmem:v5+s24+$0x0], $0xffff  }
0x6f: {  	v4 =	vor.u32 v2, v6  }
0x70: {  	v4 =	vor.u32 v3, v4  }
.Ltmp4:
0x71: {  	(pc) =	sbr.rel @p0 .LBB2_6-.Ltmp4, $3  }
0x72: {  	_ =	sdelay $0x1  }
0x73: {  	[tilespmem:v5+s22+$0x0] =	vst.idx.msk $0xffff, v7  }
0x74: {  	s14 =	sadd.s32 $0x4, s14;
	v6 =	vmov s3;
	v5 =	vld.idx.msk [tilespmem:v4+s24+$0x0], $0xffff  }
0x75: {  	v6 =	vshll.u32 v6, $0x7  }
0x76: {  	v7 =	vor.u32 v0, v6;
	_ =	sdelay $0x3  }
0x77: {  	s3 =	sshll.u32 s3, $0x7;
	[tilespmem:v4+s22+$0x0] =	vst.idx.msk $0xffff, v5  }
0x78: {  	s14 =	sadd.s32 $0x80, s3;
	v4 =	vld.idx.msk [tilespmem:v7+s24+$0x0], $0xffff  }
0x79: {  	v5 =	vor.u32 s14, v0;
	_ =	sdelay $0x3  }
0x7a: {  	[tilespmem:v7+s22+$0x0] =	vst.idx.msk $0xffff, v4  }
0x7b: {  	s17 =	sadd.s32 $0x100, s3;
	v4 =	vld.idx.msk [tilespmem:v5+s24+$0x0], $0xffff  }
0x7c: {  	v63 =	vor.u32 s17, v0;
	_ =	sdelay $0x3  }
0x7d: {  	[tilespmem:v5+s22+$0x0] =	vst.idx.msk $0xffff, v4  }
0x7e: {  	s3 =	sadd.s32 $0x180, s3;
	v4 =	vld.idx.msk [tilespmem:v63+s24+$0x0], $0xffff  }
0x7f: {  	v5 =	vor.u32 s3, v0;
	_ =	sdelay $0x3  }
0x80: {  	[tilespmem:v63+s22+$0x0] =	vst.idx.msk $0xffff, v4  }
0x81: {  	v6 =	vor.u32 v2, v6;
	v4 =	vld.idx.msk [tilespmem:v5+s24+$0x0], $0xffff  }
0x82: {  	v6 =	vor.u32 v3, v6;
	_ =	sdelay $0x3  }
0x83: {  	[tilespmem:v5+s22+$0x0] =	vst.idx.msk $0xffff, v4  }
0x84: {  	v4 =	vld.idx.msk [tilespmem:v6+s24+$0x0], $0xffff  }
0x85: {  	p0 =	sgt.u32 s31, $0x4C  }
0x86: {  	s3 =	sadd.s32 @!p0 $0x2, s31  }
0x87: {  	s14 =	sshll.u32 @!p0 s3, $0x7  }
0x88: {  	s15 =	sand.u32 @!p0 $0x7C00, s14  }
0x89: {  	s3 =	sshll.u32 @!p0 s3, $0xE;
	s14 =	sand.u32 @!p0 $0x300, s14;
	s15 =	sadd.s32 @!p0 s8, s15;
	[tilespmem:v6+s22+$0x0] =	vst.idx.msk $0xffff, v4  }
0x8a: {  	[spmem:s1] =	stream.indirect.scatter.add.f32 [tilespmem:s22], [sflag:$0x3], $0x80, s2, s25, $0xb8;
	[tilespmem:$0x1FD00] =	vst v63  }
0x8b: {  	s3 =	sadd.s32 @!p0 s9, s3;
	s14 =	sor.u32 @!p0 s14, s15;
	_ =	swait.ge [sflag:s23], $0x4000  }
0x8c: {  	s3 =	sshrl.u32 @!p0 s3, $0x3;
	s14 =	sshrl.u32 @!p0 s14, $0x3;
	[sflag:s23] =	ssyncset.done $0x0  }
0x8d: {  	s15 =	simm.s32 @!p0 $0x0;
	s14 =	sadd.s32 @!p0 s5, s14;
	[sflag:s23] =	ssyncadd.s32 $0xFFFFC000  }
0x8e: {  	[tilespmem:s15], [sflag:$0x1] =	stream.linear.gather @!p0 [hbm4b:s14+s15], $0x80, $0x38;
	[tilespmem:$0x1FD00] =	vst v63  }
0x8f: {  	s3 =	sadd.s32 @!p0 s4, s3;
	s14 =	simm.s32 @!p0 $0x100  }
0x90: {  	[tilespmem:s14], [sflag:$0x1] =	stream.linear.gather @!p0 [hbm4b:s3+s15], $0x4000, $0x38;
	[tilespmem:$0x1FD00] =	vst v63  }
0x91: {  	p0 =	seq.s32 s0, $0x0  }
.Ltmp5:
0x92: {  	_ = 	snop;
	(pc) =	sbr.rel @p0 .LBB2_11-.Ltmp5, $1  }
0x93: {  	_ =	sdelay $0x3  }
.LBB2_8:
0x94: {  	s0 =	simm.s32 $0x0  }
0x95: {  	v4 =	vmov s0  }
0x96: {  	_ =	swait.ge [sflag:s28], $0x80;
	v4 =	vshll.u32 v4, $0x7  }
0x97: {  	[sflag:s28] =	ssyncset.done $0x0;
	v5 =	vor.u32 v0, v4  }
0x98: {  	[sflag:s28] =	ssyncadd.s32 $0xFFFFFF80  }
0x99: {  	_ =	swait.ge [sflag:s28], $0x4000  }
0x9a: {  	[sflag:s28] =	ssyncset.done $0x0  }
0x9b: {  	[sflag:s28] =	ssyncadd.s32 $0xFFFFC000  }
0x9c: {  	s15 =	simm.s32 $0x80;
	v6 =	vld.idx.msk [tilespmem:v5+s26+$0x0], $0xffff  }
0x9d: {  	v7 =	vor.u32 s15, v0;
	_ =	sdelay $0x3  }
0x9e: {  	[tilespmem:v5+s22+$0x0] =	vst.idx.msk $0xffff, v6  }
0x9f: {  	s16 =	simm.s32 $0x100;
	v5 =	vld.idx.msk [tilespmem:v7+s26+$0x0], $0xffff  }
0xa0: {  	v6 =	vor.u32 s16, v0;
	_ =	sdelay $0x3  }
0xa1: {  	[tilespmem:v7+s22+$0x0] =	vst.idx.msk $0xffff, v5  }
0xa2: {  	s17 =	simm.s32 $0x180;
	v5 =	vld.idx.msk [tilespmem:v6+s26+$0x0], $0xffff  }
0xa3: {  	v7 =	vor.u32 s17, v0;
	_ =	sdelay $0x3  }
0xa4: {  	[tilespmem:v6+s22+$0x0] =	vst.idx.msk $0xffff, v5  }
0xa5: {  	v4 =	vor.u32 v2, v4;
	v5 =	vld.idx.msk [tilespmem:v7+s26+$0x0], $0xffff  }
0xa6: {  	v4 =	vor.u32 v3, v4;
	_ =	sdelay $0x3  }
0xa7: {  	s0 =	simm.s32 $0x4;
	[tilespmem:v7+s22+$0x0] =	vst.idx.msk $0xffff, v5  }
0xa8: {  	s3 =	simm.s32 $0x8;
	v6 =	vmov s0;
	v5 =	vld.idx.msk [tilespmem:v4+s26+$0x0], $0xffff  }
.LBB2_9:
0xa9: {  	p0 =	sne.s32 s3, $0x7C;
	v6 =	vshll.u32 v6, $0x7  }
0xaa: {  	v7 =	vor.u32 v0, v6;
	_ =	sdelay $0x3  }
0xab: {  	[tilespmem:v4+s22+$0x0] =	vst.idx.msk $0xffff, v5  }
0xac: {  	s14 =	sshll.u32 s0, $0x7;
	s0 =	smov.u32 s3;
	v4 =	vld.idx.msk [tilespmem:v7+s26+$0x0], $0xffff  }
0xad: {  	s15 =	sadd.s32 $0x80, s14  }
0xae: {  	v5 =	vor.u32 s15, v0;
	_ =	sdelay $0x3  }
0xaf: {  	[tilespmem:v7+s22+$0x0] =	vst.idx.msk $0xffff, v4  }
0xb0: {  	v4 =	vld.idx.msk [tilespmem:v5+s26+$0x0], $0xffff  }
0xb1: {  	s15 =	sadd.s32 $0x100, s14  }
0xb2: {  	v7 =	vor.u32 s15, v0;
	_ =	sdelay $0x3  }
0xb3: {  	[tilespmem:v5+s22+$0x0] =	vst.idx.msk $0xffff, v4  }
0xb4: {  	v4 =	vld.idx.msk [tilespmem:v7+s26+$0x0], $0xffff  }
0xb5: {  	s14 =	sadd.s32 $0x180, s14  }
0xb6: {  	v5 =	vor.u32 s14, v0;
	_ =	sdelay $0x3  }
0xb7: {  	[tilespmem:v7+s22+$0x0] =	vst.idx.msk $0xffff, v4  }
0xb8: {  	v7 =	vld.idx.msk [tilespmem:v5+s26+$0x0], $0xffff  }
0xb9: {  	v4 =	vor.u32 v2, v6  }
0xba: {  	v4 =	vor.u32 v3, v4  }
.Ltmp6:
0xbb: {  	(pc) =	sbr.rel @p0 .LBB2_9-.Ltmp6, $3  }
0xbc: {  	_ =	sdelay $0x1  }
0xbd: {  	[tilespmem:v5+s22+$0x0] =	vst.idx.msk $0xffff, v7  }
0xbe: {  	s3 =	sadd.s32 $0x4, s3;
	v6 =	vmov s0;
	v5 =	vld.idx.msk [tilespmem:v4+s26+$0x0], $0xffff  }
0xbf: {  	v6 =	vshll.u32 v6, $0x7  }
0xc0: {  	v7 =	vor.u32 v0, v6;
	_ =	sdelay $0x3  }
0xc1: {  	s0 =	sshll.u32 s0, $0x7;
	[tilespmem:v4+s22+$0x0] =	vst.idx.msk $0xffff, v5  }
0xc2: {  	s3 =	sadd.s32 $0x80, s0;
	v4 =	vld.idx.msk [tilespmem:v7+s26+$0x0], $0xffff  }
0xc3: {  	v5 =	vor.u32 s3, v0;
	_ =	sdelay $0x3  }
0xc4: {  	[tilespmem:v7+s22+$0x0] =	vst.idx.msk $0xffff, v4  }
0xc5: {  	s17 =	sadd.s32 $0x100, s0;
	v4 =	vld.idx.msk [tilespmem:v5+s26+$0x0], $0xffff  }
0xc6: {  	v63 =	vor.u32 s17, v0;
	_ =	sdelay $0x3  }
0xc7: {  	[tilespmem:v5+s22+$0x0] =	vst.idx.msk $0xffff, v4  }
0xc8: {  	s0 =	sadd.s32 $0x180, s0;
	v4 =	vld.idx.msk [tilespmem:v63+s26+$0x0], $0xffff  }
0xc9: {  	v5 =	vor.u32 s0, v0;
	_ =	sdelay $0x3  }
0xca: {  	[tilespmem:v63+s22+$0x0] =	vst.idx.msk $0xffff, v4  }
0xcb: {  	v6 =	vor.u32 v2, v6;
	v4 =	vld.idx.msk [tilespmem:v5+s26+$0x0], $0xffff  }
0xcc: {  	v6 =	vor.u32 v3, v6;
	_ =	sdelay $0x3  }
0xcd: {  	[tilespmem:v5+s22+$0x0] =	vst.idx.msk $0xffff, v4  }
0xce: {  	v4 =	vld.idx.msk [tilespmem:v6+s26+$0x0], $0xffff  }
0xcf: {  	p0 =	sgt.u32 s31, $0x4C  }
0xd0: {  	s0 =	sadd.s32 @!p0 $0x2, s31  }
0xd1: {  	s3 =	sshll.u32 @!p0 s0, $0x7  }
0xd2: {  	s15 =	simm.s32 @!p0 $0x80;
	s0 =	sshll.u32 @!p0 s0, $0xE;
	s14 =	sand.u32 @!p0 $0x7C00, s3  }
0xd3: {  	s3 =	sand.u32 @!p0 $0x380, s3;
	s0 =	sadd.s32 @!p0 s9, s0;
	s14 =	sadd.s32 @!p0 s8, s14;
	[tilespmem:v6+s22+$0x0] =	vst.idx.msk $0xffff, v4  }
0xd4: {  	[spmem:s1] =	stream.indirect.scatter.add.f32 [tilespmem:s22], [sflag:$0x3], $0x80, s25, s25, $0xb8;
	[tilespmem:$0x1FD00] =	vst v63  }
0xd5: {  	s0 =	sshrl.u32 @!p0 s0, $0x3;
	s3 =	sor.u32 @!p0 s3, s14;
	_ =	swait.ge [sflag:s23], $0x4000  }
.Ltmp7:
0xd6: {  	s3 =	sshrl.u32 @!p0 s3, $0x3;
	[sflag:s23] =	ssyncset.done $0x0;
	(pc) =	sbr.rel .LBB2_11-.Ltmp7, $4  }
0xd7: {  	s14 =	simm.s32 @!p0 $0x0;
	s3 =	sadd.s32 @!p0 s5, s3;
	[sflag:s23] =	ssyncadd.s32 $0xFFFFC000  }
0xd8: {  	[tilespmem:s15], [sflag:$0x2] =	stream.linear.gather @!p0 [hbm4b:s3+s14], $0x80, $0x38;
	[tilespmem:$0x1FD00] =	vst v63  }
0xd9: {  	s0 =	sadd.s32 @!p0 s4, s0;
	s3 =	simm.s32 @!p0 $0x4100  }
0xda: {  	[tilespmem:s3], [sflag:$0x2] =	stream.linear.gather @!p0 [hbm4b:s0+s14], $0x4000, $0x38;
	[tilespmem:$0x1FD00] =	vst v63  }
.LBB2_12:
0xdb: {  	[bflag:$0x0] =	sbarrier.arrive $0xFFFF;
	s0 =	simm.s32 $0x0;
	s31 =	simm.s32 $0x0  }
.LBB2_13:
0xdc: {  	s3 =	sshll.u32 s31, $0x7  }
0xdd: {  	s3 =	sadd.s32 s6, s3  }
0xde: {  	v4 =	vmov s0;
	s3 =	sshll.u32 s3, $0x7  }
0xdf: {  	v4 =	vshll.u32 v4, $0x7;
	s14 =	sand.u32 $0x3FFFFF80, s3  }
0xe0: {  	v5 =	vor.u32 v0, v4;
	s14 =	sadd.s32 s14, s1  }
0xe1: {  	[tilespmem:s22], [sflag:$0x3] =	stream.linear.gather [spmem:s14], $0x4000, $0x38;
	[tilespmem:$0x1FD00] =	vst v63  }
0xe2: {  	_ =	swait.ge [sflag:s23], $0x4000  }
0xe3: {  	[sflag:s23] =	ssyncset.done $0x0  }
0xe4: {  	[sflag:s23] =	ssyncadd.s32 $0xFFFFC000  }
0xe5: {  	s15 =	simm.s32 $0x80;
	v6 =	vld.idx.msk [tilespmem:v5+s22+$0x0], $0xffff  }
0xe6: {  	v7 =	vor.u32 s15, v0;
	_ =	sdelay $0x3  }
0xe7: {  	[tilespmem:v5+s24+$0x0] =	vst.idx.msk $0xffff, v6  }
0xe8: {  	s16 =	simm.s32 $0x100;
	v5 =	vld.idx.msk [tilespmem:v7+s22+$0x0], $0xffff  }
0xe9: {  	v6 =	vor.u32 s16, v0;
	_ =	sdelay $0x3  }
0xea: {  	[tilespmem:v7+s24+$0x0] =	vst.idx.msk $0xffff, v5  }
0xeb: {  	s17 =	simm.s32 $0x180;
	v5 =	vld.idx.msk [tilespmem:v6+s22+$0x0], $0xffff  }
0xec: {  	v7 =	vor.u32 s17, v0;
	_ =	sdelay $0x3  }
0xed: {  	[tilespmem:v6+s24+$0x0] =	vst.idx.msk $0xffff, v5  }
0xee: {  	v4 =	vor.u32 v2, v4;
	v5 =	vld.idx.msk [tilespmem:v7+s22+$0x0], $0xffff  }
0xef: {  	v4 =	vor.u32 v3, v4;
	_ =	sdelay $0x3  }
0xf0: {  	s14 =	simm.s32 $0x4;
	[tilespmem:v7+s24+$0x0] =	vst.idx.msk $0xffff, v5  }
0xf1: {  	s15 =	simm.s32 $0x8;
	v6 =	vmov s14;
	v5 =	vld.idx.msk [tilespmem:v4+s22+$0x0], $0xffff  }
.LBB2_14:
0xf2: {  	p0 =	sne.s32 s15, $0x7C;
	v6 =	vshll.u32 v6, $0x7  }
0xf3: {  	v7 =	vor.u32 v0, v6;
	_ =	sdelay $0x3  }
0xf4: {  	[tilespmem:v4+s24+$0x0] =	vst.idx.msk $0xffff, v5  }
0xf5: {  	s16 =	sshll.u32 s14, $0x7;
	s14 =	smov.u32 s15;
	v4 =	vld.idx.msk [tilespmem:v7+s22+$0x0], $0xffff  }
0xf6: {  	s17 =	sadd.s32 $0x80, s16  }
0xf7: {  	v5 =	vor.u32 s17, v0;
	_ =	sdelay $0x3  }
0xf8: {  	[tilespmem:v7+s24+$0x0] =	vst.idx.msk $0xffff, v4  }
0xf9: {  	v4 =	vld.idx.msk [tilespmem:v5+s22+$0x0], $0xffff  }
0xfa: {  	s17 =	sadd.s32 $0x100, s16  }
0xfb: {  	v7 =	vor.u32 s17, v0;
	_ =	sdelay $0x3  }
0xfc: {  	[tilespmem:v5+s24+$0x0] =	vst.idx.msk $0xffff, v4  }
0xfd: {  	v4 =	vld.idx.msk [tilespmem:v7+s22+$0x0], $0xffff  }
0xfe: {  	s16 =	sadd.s32 $0x180, s16  }
0xff: {  	v5 =	vor.u32 s16, v0;
	_ =	sdelay $0x3  }
0x100: {  	[tilespmem:v7+s24+$0x0] =	vst.idx.msk $0xffff, v4  }
0x101: {  	v7 =	vld.idx.msk [tilespmem:v5+s22+$0x0], $0xffff  }
0x102: {  	v4 =	vor.u32 v2, v6  }
0x103: {  	v4 =	vor.u32 v3, v4  }
.Ltmp8:
0x104: {  	(pc) =	sbr.rel @p0 .LBB2_14-.Ltmp8, $3  }
0x105: {  	_ =	sdelay $0x1  }
0x106: {  	[tilespmem:v5+s24+$0x0] =	vst.idx.msk $0xffff, v7  }
0x107: {  	s15 =	sadd.s32 $0x4, s15;
	v6 =	vmov s14;
	v5 =	vld.idx.msk [tilespmem:v4+s22+$0x0], $0xffff  }
0x108: {  	v6 =	vshll.u32 v6, $0x7  }
0x109: {  	v7 =	vor.u32 v0, v6;
	_ =	sdelay $0x3  }
0x10a: {  	s14 =	sshll.u32 s14, $0x7;
	[tilespmem:v4+s24+$0x0] =	vst.idx.msk $0xffff, v5  }
0x10b: {  	s15 =	sadd.s32 $0x80, s14;
	v4 =	vld.idx.msk [tilespmem:v7+s22+$0x0], $0xffff  }
0x10c: {  	v5 =	vor.u32 s15, v0;
	_ =	sdelay $0x3  }
0x10d: {  	[tilespmem:v7+s24+$0x0] =	vst.idx.msk $0xffff, v4  }
0x10e: {  	s17 =	sadd.s32 $0x100, s14;
	v4 =	vld.idx.msk [tilespmem:v5+s22+$0x0], $0xffff  }
0x10f: {  	v63 =	vor.u32 s17, v0;
	_ =	sdelay $0x3  }
0x110: {  	[tilespmem:v5+s24+$0x0] =	vst.idx.msk $0xffff, v4  }
0x111: {  	s14 =	sadd.s32 $0x180, s14;
	v4 =	vld.idx.msk [tilespmem:v63+s22+$0x0], $0xffff  }
0x112: {  	v5 =	vor.u32 s14, v0;
	_ =	sdelay $0x3  }
0x113: {  	[tilespmem:v63+s24+$0x0] =	vst.idx.msk $0xffff, v4  }
0x114: {  	v6 =	vor.u32 v2, v6;
	v4 =	vld.idx.msk [tilespmem:v5+s22+$0x0], $0xffff  }
0x115: {  	v6 =	vor.u32 v3, v6;
	_ =	sdelay $0x3  }
0x116: {  	[tilespmem:v5+s24+$0x0] =	vst.idx.msk $0xffff, v4  }
0x117: {  	v4 =	vld.idx.msk [tilespmem:v6+s22+$0x0], $0xffff;
	_ =	sdelay $0x2  }
0x118: {  	s3 =	sadd.s32 s11, s3;
	s31 =	sadd.s32 $0x1, s31  }
0x119: {  	s3 =	sshrl.u32 s3, $0x3;
	p0 =	sne.s32 s31, $0x4  }
.Ltmp9:
0x11a: {  	s3 =	sadd.s32 s7, s3;
	[tilespmem:v6+s24+$0x0] =	vst.idx.msk $0xffff, v4;
	(pc) =	sbr.rel @p0 .LBB2_13-.Ltmp9, $4  }
0x11b: {  	[hbm4b:s3+s2] =	stream.linear.scatter [tilespmem:s24], [sflag:$0x3], $0x4000, $0x38;
	[tilespmem:$0x1FD00] =	vst v63  }
0x11c: {  	_ =	swait.ge [sflag:s23], $0x4000  }
0x11d: {  	[sflag:s23] =	ssyncset.done $0x0  }
0x11e: {  	[sflag:s23] =	ssyncadd.s32 $0xFFFFC000  }
0x11f: {  	s0 =	simm.s32 $0x0  }
0x120: {  	v4 =	vmov s0  }
0x121: {  	v4 =	vshll.u32 v4, $0x7  }
0x122: {  	[tilespmem:s22], [sflag:$0x3] =	stream.linear.gather [spmem:s12], $0x3C00, $0x38;
	v5 =	vor.u32 v0, v4;
	[tilespmem:$0x1FD00] =	vst v63  }
0x123: {  	s15 =	simm.s32 $0x3  }
0x124: {  	_ =	swait.ge [sflag:s15], $0x3C00  }
0x125: {  	[sflag:s15] =	ssyncset.done $0x0  }
0x126: {  	[sflag:s15] =	ssyncadd.s32 $0xFFFFC400  }
0x127: {  	s16 =	simm.s32 $0x80;
	v6 =	vld.idx.msk [tilespmem:v5+s22+$0x0], $0xffff  }
0x128: {  	v7 =	vor.u32 s16, v0;
	_ =	sdelay $0x3  }
0x129: {  	[tilespmem:v5+s24+$0x0] =	vst.idx.msk $0xffff, v6  }
0x12a: {  	s17 =	simm.s32 $0x100;
	v5 =	vld.idx.msk [tilespmem:v7+s22+$0x0], $0xffff  }
0x12b: {  	v6 =	vor.u32 s17, v0;
	_ =	sdelay $0x3  }
0x12c: {  	[tilespmem:v7+s24+$0x0] =	vst.idx.msk $0xffff, v5  }
0x12d: {  	s31 =	simm.s32 $0x180;
	v5 =	vld.idx.msk [tilespmem:v6+s22+$0x0], $0xffff  }
0x12e: {  	v7 =	vor.u32 s31, v0;
	_ =	sdelay $0x3  }
0x12f: {  	[tilespmem:v6+s24+$0x0] =	vst.idx.msk $0xffff, v5  }
0x130: {  	v4 =	vor.u32 v2, v4;
	v5 =	vld.idx.msk [tilespmem:v7+s22+$0x0], $0xffff  }
0x131: {  	v4 =	vor.u32 v3, v4;
	_ =	sdelay $0x3  }
0x132: {  	s14 =	simm.s32 $0x4;
	s3 =	simm.s32 $0xB;
	s0 =	simm.s32 $0x7;
	[tilespmem:v7+s24+$0x0] =	vst.idx.msk $0xffff, v5  }
.LBB2_17:
0x133: {  	p0 =	sne.s32 s3, $0x77;
	v5 =	vmov s14;
	v6 =	vld.idx.msk [tilespmem:v4+s22+$0x0], $0xffff  }
0x134: {  	v5 =	vshll.u32 v5, $0x7  }
0x135: {  	v7 =	vor.u32 v0, v5;
	_ =	sdelay $0x3  }
0x136: {  	[tilespmem:v4+s24+$0x0] =	vst.idx.msk $0xffff, v6  }
0x137: {  	s14 =	sshll.u32 s0, $0x7;
	s0 =	smov.u32 s3;
	v4 =	vld.idx.msk [tilespmem:v7+s22+$0x0], $0xffff  }
0x138: {  	s15 =	sadd.s32 $0xFFFFFF00, s14  }
0x139: {  	v6 =	vor.u32 s15, v0;
	_ =	sdelay $0x3  }
0x13a: {  	[tilespmem:v7+s24+$0x0] =	vst.idx.msk $0xffff, v4  }
0x13b: {  	v4 =	vld.idx.msk [tilespmem:v6+s22+$0x0], $0xffff  }
0x13c: {  	s15 =	sadd.s32 $0xFFFFFF80, s14  }
0x13d: {  	v7 =	vor.u32 s15, v0;
	_ =	sdelay $0x3  }
0x13e: {  	[tilespmem:v6+s24+$0x0] =	vst.idx.msk $0xffff, v4  }
0x13f: {  	v4 =	vld.idx.msk [tilespmem:v7+s22+$0x0], $0xffff;
	_ =	sdelay $0x1  }
0x140: {  	v6 =	vor.u32 s14, v0;
	_ =	sdelay $0x3  }
0x141: {  	[tilespmem:v7+s24+$0x0] =	vst.idx.msk $0xffff, v4  }
0x142: {  	v7 =	vld.idx.msk [tilespmem:v6+s22+$0x0], $0xffff  }
0x143: {  	v4 =	vor.u32 v2, v5  }
.Ltmp10:
0x144: {  	v4 =	vor.u32 v3, v4;
	(pc) =	sbr.rel @p0 .LBB2_17-.Ltmp10, $2  }
0x145: {  	_ =	sdelay $0x2  }
0x146: {  	s3 =	sadd.s32 $0x4, s3;
	s14 =	sadd.s32 $0xFFFFFFFD, s0;
	[tilespmem:v6+s24+$0x0] =	vst.idx.msk $0xffff, v7  }
0x147: {  	_ =	sdelay $0x2  }
0x148: {  	v5 =	vmov s14  }
0x149: {  	v6 =	vld.idx.msk [tilespmem:v4+s22+$0x0], $0xffff;
	v5 =	vshll.u32 v5, $0x7  }
0x14a: {  	v7 =	vor.u32 v0, v5;
	_ =	sdelay $0x3  }
0x14b: {  	s0 =	sshll.u32 s0, $0x7;
	[tilespmem:v4+s24+$0x0] =	vst.idx.msk $0xffff, v6  }
0x14c: {  	s3 =	sadd.s32 $0xFFFFFF00, s0;
	v4 =	vld.idx.msk [tilespmem:v7+s22+$0x0], $0xffff  }
0x14d: {  	v61 =	vor.u32 s3, v0;
	_ =	sdelay $0x3  }
0x14e: {  	[tilespmem:v7+s24+$0x0] =	vst.idx.msk $0xffff, v4  }
0x14f: {  	s17 =	sadd.s32 $0xFFFFFF80, s0;
	v4 =	vld.idx.msk [tilespmem:v61+s22+$0x0], $0xffff  }
0x150: {  	v62 =	vor.u32 s17, v0;
	_ =	sdelay $0x3  }
0x151: {  	[tilespmem:v61+s24+$0x0] =	vst.idx.msk $0xffff, v4  }
0x152: {  	v4 =	vld.idx.msk [tilespmem:v62+s22+$0x0], $0xffff  }
0x153: {  	v63 =	vor.u32 s0, v0;
	_ =	sdelay $0x3  }
0x154: {  	[tilespmem:v62+s24+$0x0] =	vst.idx.msk $0xffff, v4  }
0x155: {  	v5 =	vor.u32 v2, v5;
	v4 =	vld.idx.msk [tilespmem:v63+s22+$0x0], $0xffff  }
0x156: {  	v5 =	vor.u32 v3, v5;
	_ =	sdelay $0x3  }
0x157: {  	[tilespmem:v63+s24+$0x0] =	vst.idx.msk $0xffff, v4  }
0x158: {  	v4 =	vld.idx.msk [tilespmem:v5+s22+$0x0], $0xffff;
	_ =	sdelay $0x2  }
0x159: {  	s30 =	sadd.s32 $0x1, s30  }
0x15a: {  	p0 =	sne.s32 s30, s18  }
.Ltmp11:
0x15b: {  	s31 =	rddreg [dreg:$0x6];
	[tilespmem:v5+s24+$0x0] =	vst.idx.msk $0xffff, v4;
	(pc) =	sbr.rel @p0 .LBB2_1-.Ltmp11, $4  }
0x15c: {  	[hbm4b:s31+s2] =	stream.linear.scatter [tilespmem:s24], [sflag:$0x3], $0x3C00, $0x38;
	[tilespmem:$0x1FD00] =	vst v63  }
0x15d: {  	_ =	swait.ge [sflag:s23], $0x3C00  }
0x15e: {  	[sflag:s23] =	ssyncset.done $0x0  }
0x15f: {  	[sflag:s23] =	ssyncadd.s32 $0xFFFFC400  }
0x160: {  	_ =	sfence.sel $0x180000  }
0x161: {  	[bflag:$0x0] =	sbarrier.arrive $0xFFFF  }
0x162: {  	_ =	strace $0x9000004A  }
0x163: {  	s0 =	stileid.u32;
	[bflag:$0x2] =	sbarrier.arrive $0xFFFF  }
0x164: {  	p0 =	sne.s32 s0, $0x0;
	s0 =	rddreg [dreg:$0x2]  }
0x165: {  	s0 =	sadd.s32 @!p0 $0x100000, s0  }
0x166: {  	[sflag:s0] =	ssyncadd.tile.s32 @!p0 $0x1;
	_ =	shalt  }
.Lfunc_end2:
_tile_overlayer_lowered:
.L_overlay_start_2:
0x167: {  	(tag) =	ssettag $0x2  }
0x168: {  	s0 =	rddreg [dreg:$0x0];
	s2 =	stileid.u32  }
0x169: {  	s1 =	rddreg [dreg:$0x1];
	p0 =	sne.s32 s2, $0x0  }
0x16a: {  	s3 =	rddreg [dreg:$0x2];
	[bflag:$0x3] =	sbarrier.arrive $0xFFFF;
	s2 =	simm.s32 @!p0 $0x1C03  }
0x16b: {  	[timem:s3], [sflag:s2] =	dma.local @!p0 [hbm:s0], s1  }
0x16c: {  	s0 =	simm.s32 @!p0 $0x3  }
0x16d: {  	_ =	swait.ge @!p0 [sflag:s0], s1  }
0x16e: {  	s1 =	ssub.s32 @!p0 $0x0, s1;
	[sflag:s0] =	ssyncset.done @!p0 $0x0  }
0x16f: {  	[sflag:s0] =	ssyncadd.s32 @!p0 s1  }
0x170: {  	[bflag:$0x3] =	sbarrier.arrive $0xFFFF  }
0x171: {  	_ =	shalt  }

</sc_bundles>
